<compile_context>
chip_gen: v7x
topology: tpu7x:2x2x1
jax: 0.10.2.dev20260603
libtpu: 0.0.44.dev20260713+nightly
codegen_flags: <defaults>
</compile_context>

<pallas_src>
import functools

import jax
import jax.numpy as jnp
from jax import lax
from jax.experimental import pallas as pl
from jax.experimental.pallas import tpu as pltpu
from jax.experimental.pallas import tpu_sc as plsc

N_NODES = 10000
D = 128
E = 320000
NC = 2
NS = 16
NW = NC * NS
C = 120
K = 84
EPT = K * C
E_PAD = NW * EPT
N_PAD = 10112
RPT = N_PAD // NS
NBUF = 3

_mesh = plsc.VectorSubcoreMesh(core_axis_name="c", subcore_axis_name="s")


@functools.partial(
    pl.kernel,
    out_type=jax.ShapeDtypeStruct((NC, N_PAD, D), jnp.float32),
    mesh=_mesh,
    scratch_types=[
        pltpu.VMEM((NBUF, C), jnp.int32),
        pltpu.VMEM((NBUF, C), jnp.int32),
        pltpu.VMEM((NBUF, C, D), jnp.float32),
        pltpu.VMEM_SHARED((N_PAD, D), jnp.float32),
        [pltpu.SemaphoreType.DMA] * NBUF,
        [pltpu.SemaphoreType.DMA] * NBUF,
        [pltpu.SemaphoreType.DMA] * NBUF,
        [pltpu.SemaphoreType.DMA] * NBUF,
    ],
)
def _segsum_sc(src_hbm, dst_hbm, x_hbm, out_hbm, src_r, dst_r, rows_v, acc_sh,
               gsems, dsems, ssems, xsems):
    cid = lax.axis_index("c")
    sid = lax.axis_index("s")
    wid = sid * NC + cid

    zeros16 = jnp.zeros((16,), jnp.float32)

    @pl.loop(0, C)
    def _zero_rows(r):
        for j in range(D // 16):
            rows_v[0, r, pl.ds(j * 16, 16)] = zeros16

    base = sid * RPT
    for t in range(RPT // C):
        pltpu.sync_copy(rows_v.at[0], acc_sh.at[pl.ds(base + t * C, C)])
    if RPT % C:
        pltpu.sync_copy(rows_v.at[0, pl.ds(0, RPT % C)],
                        acc_sh.at[pl.ds(base + (RPT // C) * C, RPT % C)])

    plsc.subcore_barrier()

    def _start_src(chunk, b):
        pltpu.async_copy(src_hbm.at[wid, chunk], src_r.at[b], xsems[b])

    def _wait_src(b):
        pltpu.make_async_copy(src_hbm.at[wid, 0], src_r.at[b], xsems[b]).wait()

    def _start_dst(chunk, b):
        pltpu.async_copy(dst_hbm.at[wid, chunk], dst_r.at[b], dsems[b])

    def _wait_dst(b):
        pltpu.make_async_copy(dst_hbm.at[wid, 0], dst_r.at[b], dsems[b]).wait()

    def _start_gather(b):
        pltpu.async_copy(x_hbm.at[src_r.at[b]], rows_v.at[b], gsems[b])

    def _wait_gather(b):
        pltpu.make_async_copy(x_hbm.at[src_r.at[0]], rows_v.at[b], gsems[b]).wait()

    def _start_scatter(b):
        pltpu.async_copy(rows_v.at[b], acc_sh.at[dst_r.at[b]], ssems[b], add=True)

    def _wait_scatter(b):
        pltpu.make_async_copy(rows_v.at[b], acc_sh.at[dst_r.at[0]],
                              ssems[b]).wait()

    for b in range(NBUF):
        _start_src(b, b)
        _start_dst(b, b)
    for b in range(NBUF):
        _wait_src(b)
        _start_gather(b)

    def _visit(k, b, bprev, guard):
        _wait_gather(b)
        _wait_dst(b)
        if guard:
            nxt = k + NBUF

            @pl.when(nxt < K)
            def _():
                _start_src(nxt, b)
        else:
            _start_src(k + NBUF, b)
        _start_scatter(b)
        if bprev is not None:
            _wait_scatter(bprev)
            j = k + NBUF - 1
            if guard:
                @pl.when(j < K)
                def _():
                    _wait_src(bprev)
                    _start_gather(bprev)
                    _start_dst(j, bprev)
            else:
                _wait_src(bprev)
                _start_gather(bprev)
                _start_dst(j, bprev)

    _visit(0, 0, None, False)
    for k in range(1, NBUF):
        _visit(k, k % NBUF, (k - 1) % NBUF, False)

    @pl.loop(NBUF, K, step=NBUF)
    def _edge_group(k0):
        for b in range(NBUF):
            _visit(k0 + b, b, (b - 1) % NBUF, True)

    _wait_scatter((K - 1) % NBUF)

    plsc.subcore_barrier()

    pltpu.sync_copy(acc_sh.at[pl.ds(base, RPT)], out_hbm.at[cid, pl.ds(base, RPT)])


def _mlp_body(x_ref, p_ref, w1t_ref, b1_ref, g_ref, be_ref, w2t_ref, b2_ref,
              eps_ref, o_ref):
    h = (x_ref[...] * (1.0 + eps_ref[0, 0])
         + p_ref[0, :N_NODES, :] + p_ref[1, :N_NODES, :])
    z = jnp.dot(h, w1t_ref[...], preferred_element_type=jnp.float32) + b1_ref[...]
    mean = jnp.mean(z, axis=0, keepdims=True)
    zc = z - mean
    var = jnp.mean(zc * zc, axis=0, keepdims=True)
    y = zc * lax.rsqrt(var + 1e-5) * g_ref[...] + be_ref[...]
    y = jnp.maximum(y, 0.0)
    o_ref[...] = jnp.dot(y, w2t_ref[...], preferred_element_type=jnp.float32) + b2_ref[...]


def _mlp_tc(x, partials, W1t, b1, gamma, beta, W2t, b2, eps):
    return pl.pallas_call(
        _mlp_body,
        out_shape=jax.ShapeDtypeStruct((N_NODES, D), jnp.float32),
    )(x, partials, W1t, b1.reshape(1, D), gamma.reshape(1, D),
      beta.reshape(1, D), W2t, b2.reshape(1, D), eps.reshape(1, 1))


def kernel(x, edge_index, W1, b1, gamma, beta, W2, b2, eps):
    ppt = EPT - E // NW
    src = jnp.concatenate(
        [edge_index[0].astype(jnp.int32).reshape(NW, E // NW),
         jnp.zeros((NW, ppt), jnp.int32)], axis=1).reshape(NW, K, C)
    junk = (N_NODES
            + (jnp.arange(NW * ppt, dtype=jnp.int32) % (N_PAD - N_NODES))
            ).reshape(NW, ppt)
    dst = jnp.concatenate(
        [edge_index[1].astype(jnp.int32).reshape(NW, E // NW), junk],
        axis=1).reshape(NW, K, C)
    partials = _segsum_sc(src, dst, x)
    return _mlp_tc(x, partials, W1.T, b1, gamma, beta, W2.T, b2, eps)

# --- scband reference (transcript-rebuilt; emitter-appended) ---
"""Pipeline reference for scband-ginconv-41094247088185 (READ-ONLY COPY).

The authoritative reference and input builder live on the scoring server;
editing this copy changes nothing except your own understanding.
"""

import jax, jax.numpy as jnp
import numpy as np

N_NODES = 10000
N_EDGES = 320000
IN_DIM = 128
EMB_DIM = 128
HID = 1 * EMB_DIM


def setup_inputs(seed: int = 0) -> dict:
    key = jax.random.key(seed)
    k = jax.random.split(key, 10)
    x = jax.random.normal(k[0], (N_NODES, IN_DIM), dtype=jnp.float32)
    edge_index = jax.random.randint(k[1], (2, N_EDGES), 0, N_NODES, dtype=jnp.int64)
    # MLP parameters: Linear(IN_DIM, HID) -> BatchNorm1d(HID) -> ReLU -> Linear(HID, EMB_DIM)
    W1 = jax.random.normal(k[2], (HID, IN_DIM), dtype=jnp.float32) * (1.0 / np.sqrt(IN_DIM))
    b1 = jnp.zeros((HID,), dtype=jnp.float32)
    gamma = jnp.ones((HID,), dtype=jnp.float32)
    beta = jnp.zeros((HID,), dtype=jnp.float32)
    W2 = jax.random.normal(k[3], (EMB_DIM, HID), dtype=jnp.float32) * (1.0 / np.sqrt(HID))
    b2 = jnp.zeros((EMB_DIM,), dtype=jnp.float32)
    eps = jnp.zeros((), dtype=jnp.float32)  # train_eps=True, initialized to 0
    return {"x": x, "edge_index": edge_index, "W1": W1, "b1": b1,
            "gamma": gamma, "beta": beta, "W2": W2, "b2": b2, "eps": eps}


def reference(x, edge_index, W1, b1, gamma, beta, W2, b2, eps):
    src = edge_index[0]
    dst = edge_index[1]
    # GIN aggregation: sum of source-node features into destination nodes
    agg = jax.ops.segment_sum(x[src], dst, num_segments=x.shape[0])
    h = (1.0 + eps) * x + agg
    # MLP: Linear -> BatchNorm1d (training-mode batch stats) -> ReLU -> Linear
    h = h @ W1.T + b1
    mean = jnp.mean(h, axis=0)
    var = jnp.var(h, axis=0)
    h = (h - mean) / jnp.sqrt(var + 1e-5) * gamma + beta
    h = jax.nn.relu(h)
    out = h @ W2.T + b2
    return out

if __name__ == "__main__":
    import jax
    _d = setup_inputs()
    print(jax.jit(kernel)(*tuple(_d.values())))

</pallas_src>

<mosaic_0001>
#map = affine_map<(d0, d1) -> (0, 0, 0)>
#map1 = affine_map<(d0, d1) -> (0, 0)>
module attributes {stable_mosaic.version = 14 : i64} {
  func.func @_segsum_sc(%arg0: i32, %arg1: i32, %arg2: memref<32x84x120xi32, #tpu.memory_space<hbm>>, %arg3: memref<32x84x120xi32, #tpu.memory_space<hbm>>, %arg4: memref<10000x128xf32, #tpu.memory_space<hbm>>, %arg5: memref<2x10112x128xf32, #tpu.memory_space<hbm>>, %arg6: memref<3x120xi32, #tpu.memory_space<vmem>>, %arg7: memref<3x120xi32, #tpu.memory_space<vmem>>, %arg8: memref<3x120x128xf32, #tpu.memory_space<vmem>>, %arg9: memref<10112x128xf32, #tpu.memory_space<vmem_shared>>, %arg10: memref<!tpu.dma_semaphore, #tpu.memory_space<semaphore_mem>>, %arg11: memref<!tpu.dma_semaphore, #tpu.memory_space<semaphore_mem>>, %arg12: memref<!tpu.dma_semaphore, #tpu.memory_space<semaphore_mem>>, %arg13: memref<!tpu.dma_semaphore, #tpu.memory_space<semaphore_mem>>, %arg14: memref<!tpu.dma_semaphore, #tpu.memory_space<semaphore_mem>>, %arg15: memref<!tpu.dma_semaphore, #tpu.memory_space<semaphore_mem>>, %arg16: memref<!tpu.dma_semaphore, #tpu.memory_space<semaphore_mem>>, %arg17: memref<!tpu.dma_semaphore, #tpu.memory_space<semaphore_mem>>, %arg18: memref<!tpu.dma_semaphore, #tpu.memory_space<semaphore_mem>>, %arg19: memref<!tpu.dma_semaphore, #tpu.memory_space<semaphore_mem>>, %arg20: memref<!tpu.dma_semaphore, #tpu.memory_space<semaphore_mem>>, %arg21: memref<!tpu.dma_semaphore, #tpu.memory_space<semaphore_mem>>) attributes {dimension_semantics = [#tpu.dimension_semantics<core_parallel>, #tpu.dimension_semantics<subcore_parallel>], iteration_bounds = array<i64: 2, 16>, scalar_prefetch = 0 : i64, scratch_operands = 16 : i64, tpu.core_type = #tpu.core_type<sc_vector_subcore>, window_params = [{transform_indices = #map}, {transform_indices = #map}, {transform_indices = #map1}, {transform_indices = #map}]} {
    %mul3A = arith.constant 2 : i32
    %mul3A_0 = arith.muli %arg1, %mul3A : i32
    %add3A = arith.addi %mul3A_0, %arg0 : i32
    %broadcast_in_dim3A = arith.constant 0.000000e+00 : f32
    %broadcast_in_dim3A_1 = vector.broadcast %broadcast_in_dim3A : f32 to vector<16xf32>
    %scan3A = arith.constant 0 : i32
    %scan3A_2 = arith.constant 120 : i32
    %scan3A_3 = arith.addi %scan3A, %scan3A_2 : i32
    %scan3A_4 = arith.constant 1 : i32
    scf.for %scan3A_463 = %scan3A to %scan3A_3 step %scan3A_4  : i32 {
      %mul3A_464 = arith.constant 1 : i32
      %mul3A_465 = arith.muli %scan3A_463, %mul3A_464 : i32
      %add3A_466 = arith.constant 0 : i32
      %add3A_467 = arith.addi %add3A_466, %mul3A_465 : i32
      %swap3A = arith.constant 0 : i32
      %swap3A_468 = arith.index_cast %swap3A : i32 to index
      %swap3A_469 = arith.index_cast %add3A_467 : i32 to index
      %swap3A_470 = arith.constant 0 : index
      %swap3A_471 = tpu.vector_load %arg8[%swap3A_468, %swap3A_469, %swap3A_470] {strides = array<i32>} : memref<3x120x128xf32, #tpu.memory_space<vmem>>, vector<1x1x16xf32>,
      %swap3A_472 = vector.shape_cast %swap3A_471 : vector<1x1x16xf32> to vector<16xf32>
      %swap3A_473 = vector.shape_cast %broadcast_in_dim3A_1 : vector<16xf32> to vector<1x1x16xf32>
      tpu.vector_store %arg8[%swap3A_468, %swap3A_469, %swap3A_470], %swap3A_473 {strides = array<i32>} : memref<3x120x128xf32, #tpu.memory_space<vmem>>, vector<1x1x16xf32>,
      %swap3A_474 = arith.constant 0 : i32
      %swap3A_475 = arith.index_cast %swap3A_474 : i32 to index
      %swap3A_476 = arith.index_cast %add3A_467 : i32 to index
      %swap3A_477 = arith.constant 16 : index
      %swap3A_478 = tpu.vector_load %arg8[%swap3A_475, %swap3A_476, %swap3A_477] {strides = array<i32>} : memref<3x120x128xf32, #tpu.memory_space<vmem>>, vector<1x1x16xf32>,
      %swap3A_479 = vector.shape_cast %swap3A_478 : vector<1x1x16xf32> to vector<16xf32>
      %swap3A_480 = vector.shape_cast %broadcast_in_dim3A_1 : vector<16xf32> to vector<1x1x16xf32>
      tpu.vector_store %arg8[%swap3A_475, %swap3A_476, %swap3A_477], %swap3A_480 {strides = array<i32>} : memref<3x120x128xf32, #tpu.memory_space<vmem>>, vector<1x1x16xf32>,
      %swap3A_481 = arith.constant 0 : i32
      %swap3A_482 = arith.index_cast %swap3A_481 : i32 to index
      %swap3A_483 = arith.index_cast %add3A_467 : i32 to index
      %swap3A_484 = arith.constant 32 : index
      %swap3A_485 = tpu.vector_load %arg8[%swap3A_482, %swap3A_483, %swap3A_484] {strides = array<i32>} : memref<3x120x128xf32, #tpu.memory_space<vmem>>, vector<1x1x16xf32>,
      %swap3A_486 = vector.shape_cast %swap3A_485 : vector<1x1x16xf32> to vector<16xf32>
      %swap3A_487 = vector.shape_cast %broadcast_in_dim3A_1 : vector<16xf32> to vector<1x1x16xf32>
      tpu.vector_store %arg8[%swap3A_482, %swap3A_483, %swap3A_484], %swap3A_487 {strides = array<i32>} : memref<3x120x128xf32, #tpu.memory_space<vmem>>, vector<1x1x16xf32>,
      %swap3A_488 = arith.constant 0 : i32
      %swap3A_489 = arith.index_cast %swap3A_488 : i32 to index
      %swap3A_490 = arith.index_cast %add3A_467 : i32 to index
      %swap3A_491 = arith.constant 48 : index
      %swap3A_492 = tpu.vector_load %arg8[%swap3A_489, %swap3A_490, %swap3A_491] {strides = array<i32>} : memref<3x120x128xf32, #tpu.memory_space<vmem>>, vector<1x1x16xf32>,
      %swap3A_493 = vector.shape_cast %swap3A_492 : vector<1x1x16xf32> to vector<16xf32>
      %swap3A_494 = vector.shape_cast %broadcast_in_dim3A_1 : vector<16xf32> to vector<1x1x16xf32>
      tpu.vector_store %arg8[%swap3A_489, %swap3A_490, %swap3A_491], %swap3A_494 {strides = array<i32>} : memref<3x120x128xf32, #tpu.memory_space<vmem>>, vector<1x1x16xf32>,
      %swap3A_495 = arith.constant 0 : i32
      %swap3A_496 = arith.index_cast %swap3A_495 : i32 to index
      %swap3A_497 = arith.index_cast %add3A_467 : i32 to index
      %swap3A_498 = arith.constant 64 : index
      %swap3A_499 = tpu.vector_load %arg8[%swap3A_496, %swap3A_497, %swap3A_498] {strides = array<i32>} : memref<3x120x128xf32, #tpu.memory_space<vmem>>, vector<1x1x16xf32>,
      %swap3A_500 = vector.shape_cast %swap3A_499 : vector<1x1x16xf32> to vector<16xf32>
      %swap3A_501 = vector.shape_cast %broadcast_in_dim3A_1 : vector<16xf32> to vector<1x1x16xf32>
      tpu.vector_store %arg8[%swap3A_496, %swap3A_497, %swap3A_498], %swap3A_501 {strides = array<i32>} : memref<3x120x128xf32, #tpu.memory_space<vmem>>, vector<1x1x16xf32>,
      %swap3A_502 = arith.constant 0 : i32
      %swap3A_503 = arith.index_cast %swap3A_502 : i32 to index
      %swap3A_504 = arith.index_cast %add3A_467 : i32 to index
      %swap3A_505 = arith.constant 80 : index
      %swap3A_506 = tpu.vector_load %arg8[%swap3A_503, %swap3A_504, %swap3A_505] {strides = array<i32>} : memref<3x120x128xf32, #tpu.memory_space<vmem>>, vector<1x1x16xf32>,
      %swap3A_507 = vector.shape_cast %swap3A_506 : vector<1x1x16xf32> to vector<16xf32>
      %swap3A_508 = vector.shape_cast %broadcast_in_dim3A_1 : vector<16xf32> to vector<1x1x16xf32>
      tpu.vector_store %arg8[%swap3A_503, %swap3A_504, %swap3A_505], %swap3A_508 {strides = array<i32>} : memref<3x120x128xf32, #tpu.memory_space<vmem>>, vector<1x1x16xf32>,
      %swap3A_509 = arith.constant 0 : i32
      %swap3A_510 = arith.index_cast %swap3A_509 : i32 to index
      %swap3A_511 = arith.index_cast %add3A_467 : i32 to index
      %swap3A_512 = arith.constant 96 : index
      %swap3A_513 = tpu.vector_load %arg8[%swap3A_510, %swap3A_511, %swap3A_512] {strides = array<i32>} : memref<3x120x128xf32, #tpu.memory_space<vmem>>, vector<1x1x16xf32>,
      %swap3A_514 = vector.shape_cast %swap3A_513 : vector<1x1x16xf32> to vector<16xf32>
      %swap3A_515 = vector.shape_cast %broadcast_in_dim3A_1 : vector<16xf32> to vector<1x1x16xf32>
      tpu.vector_store %arg8[%swap3A_510, %swap3A_511, %swap3A_512], %swap3A_515 {strides = array<i32>} : memref<3x120x128xf32, #tpu.memory_space<vmem>>, vector<1x1x16xf32>,
      %swap3A_516 = arith.constant 0 : i32
      %swap3A_517 = arith.index_cast %swap3A_516 : i32 to index
      %swap3A_518 = arith.index_cast %add3A_467 : i32 to index
      %swap3A_519 = arith.constant 112 : index
      %swap3A_520 = tpu.vector_load %arg8[%swap3A_517, %swap3A_518, %swap3A_519] {strides = array<i32>} : memref<3x120x128xf32, #tpu.memory_space<vmem>>, vector<1x1x16xf32>,
      %swap3A_521 = vector.shape_cast %swap3A_520 : vector<1x1x16xf32> to vector<16xf32>
      %swap3A_522 = vector.shape_cast %broadcast_in_dim3A_1 : vector<16xf32> to vector<1x1x16xf32>
      tpu.vector_store %arg8[%swap3A_517, %swap3A_518, %swap3A_519], %swap3A_522 {strides = array<i32>} : memref<3x120x128xf32, #tpu.memory_space<vmem>>, vector<1x1x16xf32>,
    }
    %scan3A_5 = arith.constant 120 : i32
    %mul3A_6 = arith.constant 632 : i32
    %mul3A_7 = arith.muli %arg1, %mul3A_6 : i32
    %add3A_8 = arith.constant 0 : i32
    %add3A_9 = arith.addi %mul3A_7, %add3A_8 : i32
    %run_scoped3A = arith.constant 0 : i32
    "tpu.region"() ({
      %run_scoped3A_463 = tpu.sem_alloc : memref<!tpu.dma_semaphore, #tpu.memory_space<semaphore_mem>>
      %dma_start3A_464 = arith.constant 0 : i32
      %dma_start3A_465 = arith.constant 0 : i32
      %dma_start3A_466 = tpu.memref_slice %arg8[%run_scoped3A, %dma_start3A_464, %dma_start3A_465] : memref<3x120x128xf32, #tpu.memory_space<vmem>> -> memref<1x120x128xf32, #tpu.memory_space<vmem>>
      %dma_start3A_467 = tpu.memref_squeeze %dma_start3A_466 : memref<1x120x128xf32, #tpu.memory_space<vmem>> -> memref<120x128xf32, #tpu.memory_space<vmem>>
      %dma_start3A_468 = arith.constant 0 : i32
      %dma_start3A_469 = tpu.memref_slice %arg9[%add3A_9, %dma_start3A_468] : memref<10112x128xf32, #tpu.memory_space<vmem_shared>> -> memref<120x128xf32, #tpu.memory_space<vmem_shared>>
      %dma_start3A_470 = arith.constant 0 : i32
      %dma_start3A_471 = tpu.memref_slice %arg9[%add3A_9, %dma_start3A_470] : memref<10112x128xf32, #tpu.memory_space<vmem_shared>> -> memref<120x128xf32, #tpu.memory_space<vmem_shared>>
      %dma_start3A_472 = arith.constant 0 : i32
      %dma_start3A_473 = arith.constant 0 : i32
      %dma_start3A_474 = tpu.memref_slice %arg8[%run_scoped3A, %dma_start3A_472, %dma_start3A_473] : memref<3x120x128xf32, #tpu.memory_space<vmem>> -> memref<1x120x128xf32, #tpu.memory_space<vmem>>
      %dma_start3A_475 = tpu.memref_squeeze %dma_start3A_474 : memref<1x120x128xf32, #tpu.memory_space<vmem>> -> memref<120x128xf32, #tpu.memory_space<vmem>>
      tpu.enqueue_dma source(%dma_start3A_475 : memref<120x128xf32, #tpu.memory_space<vmem>>) target(%dma_start3A_471 : memref<120x128xf32, #tpu.memory_space<vmem_shared>>) target_semaphore(%run_scoped3A_463 : memref<!tpu.dma_semaphore, #tpu.memory_space<semaphore_mem>>)
      %dma_wait3A_476 = arith.constant 0 : i32
      %dma_wait3A_477 = arith.constant 0 : i32
      %dma_wait3A_478 = tpu.memref_slice %arg8[%run_scoped3A, %dma_wait3A_476, %dma_wait3A_477] : memref<3x120x128xf32, #tpu.memory_space<vmem>> -> memref<1x120x128xf32, #tpu.memory_space<vmem>>
      %dma_wait3A_479 = tpu.memref_squeeze %dma_wait3A_478 : memref<1x120x128xf32, #tpu.memory_space<vmem>> -> memref<120x128xf32, #tpu.memory_space<vmem>>
      %dma_wait3A_480 = arith.constant 0 : i32
      %dma_wait3A_481 = tpu.memref_slice %arg9[%add3A_9, %dma_wait3A_480] : memref<10112x128xf32, #tpu.memory_space<vmem_shared>> -> memref<120x128xf32, #tpu.memory_space<vmem_shared>>
      %dma_wait3A_482 = arith.constant 0 : i32
      %dma_wait3A_483 = tpu.memref_slice %arg9[%add3A_9, %dma_wait3A_482] : memref<10112x128xf32, #tpu.memory_space<vmem_shared>> -> memref<120x128xf32, #tpu.memory_space<vmem_shared>>
      %dma_wait3A_484 = arith.constant 0 : i32
      %dma_wait3A_485 = arith.constant 0 : i32
      %dma_wait3A_486 = tpu.memref_slice %arg8[%run_scoped3A, %dma_wait3A_484, %dma_wait3A_485] : memref<3x120x128xf32, #tpu.memory_space<vmem>> -> memref<1x120x128xf32, #tpu.memory_space<vmem>>
      %dma_wait3A_487 = tpu.memref_squeeze %dma_wait3A_486 : memref<1x120x128xf32, #tpu.memory_space<vmem>> -> memref<120x128xf32, #tpu.memory_space<vmem>>
      tpu.wait_dma2 semaphore(%run_scoped3A_463 : memref<!tpu.dma_semaphore, #tpu.memory_space<semaphore_mem>>) src(%dma_wait3A_487 : memref<120x128xf32, #tpu.memory_space<vmem>>) dst(%dma_wait3A_483 : memref<120x128xf32, #tpu.memory_space<vmem_shared>>)
      tpu.yield
    }) : () -> ()
    %add3A_10 = arith.constant 120 : i32
    %add3A_11 = arith.addi %mul3A_7, %add3A_10 : i32
    %run_scoped3A_12 = arith.constant 0 : i32
    "tpu.region"() ({
      %run_scoped3A_463 = tpu.sem_alloc : memref<!tpu.dma_semaphore, #tpu.memory_space<semaphore_mem>>
      %dma_start3A_464 = arith.constant 0 : i32
      %dma_start3A_465 = arith.constant 0 : i32
      %dma_start3A_466 = tpu.memref_slice %arg8[%run_scoped3A_12, %dma_start3A_464, %dma_start3A_465] : memref<3x120x128xf32, #tpu.memory_space<vmem>> -> memref<1x120x128xf32, #tpu.memory_space<vmem>>
      %dma_start3A_467 = tpu.memref_squeeze %dma_start3A_466 : memref<1x120x128xf32, #tpu.memory_space<vmem>> -> memref<120x128xf32, #tpu.memory_space<vmem>>
      %dma_start3A_468 = arith.constant 0 : i32
      %dma_start3A_469 = tpu.memref_slice %arg9[%add3A_11, %dma_start3A_468] : memref<10112x128xf32, #tpu.memory_space<vmem_shared>> -> memref<120x128xf32, #tpu.memory_space<vmem_shared>>
      %dma_start3A_470 = arith.constant 0 : i32
      %dma_start3A_471 = tpu.memref_slice %arg9[%add3A_11, %dma_start3A_470] : memref<10112x128xf32, #tpu.memory_space<vmem_shared>> -> memref<120x128xf32, #tpu.memory_space<vmem_shared>>
      %dma_start3A_472 = arith.constant 0 : i32
      %dma_start3A_473 = arith.constant 0 : i32
      %dma_start3A_474 = tpu.memref_slice %arg8[%run_scoped3A_12, %dma_start3A_472, %dma_start3A_473] : memref<3x120x128xf32, #tpu.memory_space<vmem>> -> memref<1x120x128xf32, #tpu.memory_space<vmem>>
      %dma_start3A_475 = tpu.memref_squeeze %dma_start3A_474 : memref<1x120x128xf32, #tpu.memory_space<vmem>> -> memref<120x128xf32, #tpu.memory_space<vmem>>
      tpu.enqueue_dma source(%dma_start3A_475 : memref<120x128xf32, #tpu.memory_space<vmem>>) target(%dma_start3A_471 : memref<120x128xf32, #tpu.memory_space<vmem_shared>>) target_semaphore(%run_scoped3A_463 : memref<!tpu.dma_semaphore, #tpu.memory_space<semaphore_mem>>)
      %dma_wait3A_476 = arith.constant 0 : i32
      %dma_wait3A_477 = arith.constant 0 : i32
      %dma_wait3A_478 = tpu.memref_slice %arg8[%run_scoped3A_12, %dma_wait3A_476, %dma_wait3A_477] : memref<3x120x128xf32, #tpu.memory_space<vmem>> -> memref<1x120x128xf32, #tpu.memory_space<vmem>>
      %dma_wait3A_479 = tpu.memref_squeeze %dma_wait3A_478 : memref<1x120x128xf32, #tpu.memory_space<vmem>> -> memref<120x128xf32, #tpu.memory_space<vmem>>
      %dma_wait3A_480 = arith.constant 0 : i32
      %dma_wait3A_481 = tpu.memref_slice %arg9[%add3A_11, %dma_wait3A_480] : memref<10112x128xf32, #tpu.memory_space<vmem_shared>> -> memref<120x128xf32, #tpu.memory_space<vmem_shared>>
      %dma_wait3A_482 = arith.constant 0 : i32
      %dma_wait3A_483 = tpu.memref_slice %arg9[%add3A_11, %dma_wait3A_482] : memref<10112x128xf32, #tpu.memory_space<vmem_shared>> -> memref<120x128xf32, #tpu.memory_space<vmem_shared>>
      %dma_wait3A_484 = arith.constant 0 : i32
      %dma_wait3A_485 = arith.constant 0 : i32
      %dma_wait3A_486 = tpu.memref_slice %arg8[%run_scoped3A_12, %dma_wait3A_484, %dma_wait3A_485] : memref<3x120x128xf32, #tpu.memory_space<vmem>> -> memref<1x120x128xf32, #tpu.memory_space<vmem>>
      %dma_wait3A_487 = tpu.memref_squeeze %dma_wait3A_486 : memref<1x120x128xf32, #tpu.memory_space<vmem>> -> memref<120x128xf32, #tpu.memory_space<vmem>>
      tpu.wait_dma2 semaphore(%run_scoped3A_463 : memref<!tpu.dma_semaphore, #tpu.memory_space<semaphore_mem>>) src(%dma_wait3A_487 : memref<120x128xf32, #tpu.memory_space<vmem>>) dst(%dma_wait3A_483 : memref<120x128xf32, #tpu.memory_space<vmem_shared>>)
      tpu.yield
    }) : () -> ()
    %add3A_13 = arith.constant 240 : i32
    %add3A_14 = arith.addi %mul3A_7, %add3A_13 : i32
    %run_scoped3A_15 = arith.constant 0 : i32
    "tpu.region"() ({
      %run_scoped3A_463 = tpu.sem_alloc : memref<!tpu.dma_semaphore, #tpu.memory_space<semaphore_mem>>
      %dma_start3A_464 = arith.constant 0 : i32
      %dma_start3A_465 = arith.constant 0 : i32
      %dma_start3A_466 = tpu.memref_slice %arg8[%run_scoped3A_15, %dma_start3A_464, %dma_start3A_465] : memref<3x120x128xf32, #tpu.memory_space<vmem>> -> memref<1x120x128xf32, #tpu.memory_space<vmem>>
      %dma_start3A_467 = tpu.memref_squeeze %dma_start3A_466 : memref<1x120x128xf32, #tpu.memory_space<vmem>> -> memref<120x128xf32, #tpu.memory_space<vmem>>
      %dma_start3A_468 = arith.constant 0 : i32
      %dma_start3A_469 = tpu.memref_slice %arg9[%add3A_14, %dma_start3A_468] : memref<10112x128xf32, #tpu.memory_space<vmem_shared>> -> memref<120x128xf32, #tpu.memory_space<vmem_shared>>
      %dma_start3A_470 = arith.constant 0 : i32
      %dma_start3A_471 = tpu.memref_slice %arg9[%add3A_14, %dma_start3A_470] : memref<10112x128xf32, #tpu.memory_space<vmem_shared>> -> memref<120x128xf32, #tpu.memory_space<vmem_shared>>
      %dma_start3A_472 = arith.constant 0 : i32
      %dma_start3A_473 = arith.constant 0 : i32
      %dma_start3A_474 = tpu.memref_slice %arg8[%run_scoped3A_15, %dma_start3A_472, %dma_start3A_473] : memref<3x120x128xf32, #tpu.memory_space<vmem>> -> memref<1x120x128xf32, #tpu.memory_space<vmem>>
      %dma_start3A_475 = tpu.memref_squeeze %dma_start3A_474 : memref<1x120x128xf32, #tpu.memory_space<vmem>> -> memref<120x128xf32, #tpu.memory_space<vmem>>
      tpu.enqueue_dma source(%dma_start3A_475 : memref<120x128xf32, #tpu.memory_space<vmem>>) target(%dma_start3A_471 : memref<120x128xf32, #tpu.memory_space<vmem_shared>>) target_semaphore(%run_scoped3A_463 : memref<!tpu.dma_semaphore, #tpu.memory_space<semaphore_mem>>)
      %dma_wait3A_476 = arith.constant 0 : i32
      %dma_wait3A_477 = arith.constant 0 : i32
      %dma_wait3A_478 = tpu.memref_slice %arg8[%run_scoped3A_15, %dma_wait3A_476, %dma_wait3A_477] : memref<3x120x128xf32, #tpu.memory_space<vmem>> -> memref<1x120x128xf32, #tpu.memory_space<vmem>>
      %dma_wait3A_479 = tpu.memref_squeeze %dma_wait3A_478 : memref<1x120x128xf32, #tpu.memory_space<vmem>> -> memref<120x128xf32, #tpu.memory_space<vmem>>
      %dma_wait3A_480 = arith.constant 0 : i32
      %dma_wait3A_481 = tpu.memref_slice %arg9[%add3A_14, %dma_wait3A_480] : memref<10112x128xf32, #tpu.memory_space<vmem_shared>> -> memref<120x128xf32, #tpu.memory_space<vmem_shared>>
      %dma_wait3A_482 = arith.constant 0 : i32
      %dma_wait3A_483 = tpu.memref_slice %arg9[%add3A_14, %dma_wait3A_482] : memref<10112x128xf32, #tpu.memory_space<vmem_shared>> -> memref<120x128xf32, #tpu.memory_space<vmem_shared>>
      %dma_wait3A_484 = arith.constant 0 : i32
      %dma_wait3A_485 = arith.constant 0 : i32
      %dma_wait3A_486 = tpu.memref_slice %arg8[%run_scoped3A_15, %dma_wait3A_484, %dma_wait3A_485] : memref<3x120x128xf32, #tpu.memory_space<vmem>> -> memref<1x120x128xf32, #tpu.memory_space<vmem>>
      %dma_wait3A_487 = tpu.memref_squeeze %dma_wait3A_486 : memref<1x120x128xf32, #tpu.memory_space<vmem>> -> memref<120x128xf32, #tpu.memory_space<vmem>>
      tpu.wait_dma2 semaphore(%run_scoped3A_463 : memref<!tpu.dma_semaphore, #tpu.memory_space<semaphore_mem>>) src(%dma_wait3A_487 : memref<120x128xf32, #tpu.memory_space<vmem>>) dst(%dma_wait3A_483 : memref<120x128xf32, #tpu.memory_space<vmem_shared>>)
      tpu.yield
    }) : () -> ()
    %add3A_16 = arith.constant 360 : i32
    %add3A_17 = arith.addi %mul3A_7, %add3A_16 : i32
    %run_scoped3A_18 = arith.constant 0 : i32
    "tpu.region"() ({
      %run_scoped3A_463 = tpu.sem_alloc : memref<!tpu.dma_semaphore, #tpu.memory_space<semaphore_mem>>
      %dma_start3A_464 = arith.constant 0 : i32
      %dma_start3A_465 = arith.constant 0 : i32
      %dma_start3A_466 = tpu.memref_slice %arg8[%run_scoped3A_18, %dma_start3A_464, %dma_start3A_465] : memref<3x120x128xf32, #tpu.memory_space<vmem>> -> memref<1x120x128xf32, #tpu.memory_space<vmem>>
      %dma_start3A_467 = tpu.memref_squeeze %dma_start3A_466 : memref<1x120x128xf32, #tpu.memory_space<vmem>> -> memref<120x128xf32, #tpu.memory_space<vmem>>
      %dma_start3A_468 = arith.constant 0 : i32
      %dma_start3A_469 = tpu.memref_slice %arg9[%add3A_17, %dma_start3A_468] : memref<10112x128xf32, #tpu.memory_space<vmem_shared>> -> memref<120x128xf32, #tpu.memory_space<vmem_shared>>
      %dma_start3A_470 = arith.constant 0 : i32
      %dma_start3A_471 = tpu.memref_slice %arg9[%add3A_17, %dma_start3A_470] : memref<10112x128xf32, #tpu.memory_space<vmem_shared>> -> memref<120x128xf32, #tpu.memory_space<vmem_shared>>
      %dma_start3A_472 = arith.constant 0 : i32
      %dma_start3A_473 = arith.constant 0 : i32
      %dma_start3A_474 = tpu.memref_slice %arg8[%run_scoped3A_18, %dma_start3A_472, %dma_start3A_473] : memref<3x120x128xf32, #tpu.memory_space<vmem>> -> memref<1x120x128xf32, #tpu.memory_space<vmem>>
      %dma_start3A_475 = tpu.memref_squeeze %dma_start3A_474 : memref<1x120x128xf32, #tpu.memory_space<vmem>> -> memref<120x128xf32, #tpu.memory_space<vmem>>
      tpu.enqueue_dma source(%dma_start3A_475 : memref<120x128xf32, #tpu.memory_space<vmem>>) target(%dma_start3A_471 : memref<120x128xf32, #tpu.memory_space<vmem_shared>>) target_semaphore(%run_scoped3A_463 : memref<!tpu.dma_semaphore, #tpu.memory_space<semaphore_mem>>)
      %dma_wait3A_476 = arith.constant 0 : i32
      %dma_wait3A_477 = arith.constant 0 : i32
      %dma_wait3A_478 = tpu.memref_slice %arg8[%run_scoped3A_18, %dma_wait3A_476, %dma_wait3A_477] : memref<3x120x128xf32, #tpu.memory_space<vmem>> -> memref<1x120x128xf32, #tpu.memory_space<vmem>>
      %dma_wait3A_479 = tpu.memref_squeeze %dma_wait3A_478 : memref<1x120x128xf32, #tpu.memory_space<vmem>> -> memref<120x128xf32, #tpu.memory_space<vmem>>
      %dma_wait3A_480 = arith.constant 0 : i32
      %dma_wait3A_481 = tpu.memref_slice %arg9[%add3A_17, %dma_wait3A_480] : memref<10112x128xf32, #tpu.memory_space<vmem_shared>> -> memref<120x128xf32, #tpu.memory_space<vmem_shared>>
      %dma_wait3A_482 = arith.constant 0 : i32
      %dma_wait3A_483 = tpu.memref_slice %arg9[%add3A_17, %dma_wait3A_482] : memref<10112x128xf32, #tpu.memory_space<vmem_shared>> -> memref<120x128xf32, #tpu.memory_space<vmem_shared>>
      %dma_wait3A_484 = arith.constant 0 : i32
      %dma_wait3A_485 = arith.constant 0 : i32
      %dma_wait3A_486 = tpu.memref_slice %arg8[%run_scoped3A_18, %dma_wait3A_484, %dma_wait3A_485] : memref<3x120x128xf32, #tpu.memory_space<vmem>> -> memref<1x120x128xf32, #tpu.memory_space<vmem>>
      %dma_wait3A_487 = tpu.memref_squeeze %dma_wait3A_486 : memref<1x120x128xf32, #tpu.memory_space<vmem>> -> memref<120x128xf32, #tpu.memory_space<vmem>>
      tpu.wait_dma2 semaphore(%run_scoped3A_463 : memref<!tpu.dma_semaphore, #tpu.memory_space<semaphore_mem>>) src(%dma_wait3A_487 : memref<120x128xf32, #tpu.memory_space<vmem>>) dst(%dma_wait3A_483 : memref<120x128xf32, #tpu.memory_space<vmem_shared>>)
      tpu.yield
    }) : () -> ()
    %add3A_19 = arith.constant 480 : i32
    %add3A_20 = arith.addi %mul3A_7, %add3A_19 : i32
    %run_scoped3A_21 = arith.constant 0 : i32
    "tpu.region"() ({
      %run_scoped3A_463 = tpu.sem_alloc : memref<!tpu.dma_semaphore, #tpu.memory_space<semaphore_mem>>
      %dma_start3A_464 = arith.constant 0 : i32
      %dma_start3A_465 = arith.constant 0 : i32
      %dma_start3A_466 = tpu.memref_slice %arg8[%run_scoped3A_21, %dma_start3A_464, %dma_start3A_465] : memref<3x120x128xf32, #tpu.memory_space<vmem>> -> memref<1x120x128xf32, #tpu.memory_space<vmem>>
      %dma_start3A_467 = tpu.memref_squeeze %dma_start3A_466 : memref<1x120x128xf32, #tpu.memory_space<vmem>> -> memref<120x128xf32, #tpu.memory_space<vmem>>
      %dma_start3A_468 = arith.constant 0 : i32
      %dma_start3A_469 = tpu.memref_slice %arg9[%add3A_20, %dma_start3A_468] : memref<10112x128xf32, #tpu.memory_space<vmem_shared>> -> memref<120x128xf32, #tpu.memory_space<vmem_shared>>
      %dma_start3A_470 = arith.constant 0 : i32
      %dma_start3A_471 = tpu.memref_slice %arg9[%add3A_20, %dma_start3A_470] : memref<10112x128xf32, #tpu.memory_space<vmem_shared>> -> memref<120x128xf32, #tpu.memory_space<vmem_shared>>
      %dma_start3A_472 = arith.constant 0 : i32
      %dma_start3A_473 = arith.constant 0 : i32
      %dma_start3A_474 = tpu.memref_slice %arg8[%run_scoped3A_21, %dma_start3A_472, %dma_start3A_473] : memref<3x120x128xf32, #tpu.memory_space<vmem>> -> memref<1x120x128xf32, #tpu.memory_space<vmem>>
      %dma_start3A_475 = tpu.memref_squeeze %dma_start3A_474 : memref<1x120x128xf32, #tpu.memory_space<vmem>> -> memref<120x128xf32, #tpu.memory_space<vmem>>
      tpu.enqueue_dma source(%dma_start3A_475 : memref<120x128xf32, #tpu.memory_space<vmem>>) target(%dma_start3A_471 : memref<120x128xf32, #tpu.memory_space<vmem_shared>>) target_semaphore(%run_scoped3A_463 : memref<!tpu.dma_semaphore, #tpu.memory_space<semaphore_mem>>)
      %dma_wait3A_476 = arith.constant 0 : i32
      %dma_wait3A_477 = arith.constant 0 : i32
      %dma_wait3A_478 = tpu.memref_slice %arg8[%run_scoped3A_21, %dma_wait3A_476, %dma_wait3A_477] : memref<3x120x128xf32, #tpu.memory_space<vmem>> -> memref<1x120x128xf32, #tpu.memory_space<vmem>>
      %dma_wait3A_479 = tpu.memref_squeeze %dma_wait3A_478 : memref<1x120x128xf32, #tpu.memory_space<vmem>> -> memref<120x128xf32, #tpu.memory_space<vmem>>
      %dma_wait3A_480 = arith.constant 0 : i32
      %dma_wait3A_481 = tpu.memref_slice %arg9[%add3A_20, %dma_wait3A_480] : memref<10112x128xf32, #tpu.memory_space<vmem_shared>> -> memref<120x128xf32, #tpu.memory_space<vmem_shared>>
      %dma_wait3A_482 = arith.constant 0 : i32
      %dma_wait3A_483 = tpu.memref_slice %arg9[%add3A_20, %dma_wait3A_482] : memref<10112x128xf32, #tpu.memory_space<vmem_shared>> -> memref<120x128xf32, #tpu.memory_space<vmem_shared>>
      %dma_wait3A_484 = arith.constant 0 : i32
      %dma_wait3A_485 = arith.constant 0 : i32
      %dma_wait3A_486 = tpu.memref_slice %arg8[%run_scoped3A_21, %dma_wait3A_484, %dma_wait3A_485] : memref<3x120x128xf32, #tpu.memory_space<vmem>> -> memref<1x120x128xf32, #tpu.memory_space<vmem>>
      %dma_wait3A_487 = tpu.memref_squeeze %dma_wait3A_486 : memref<1x120x128xf32, #tpu.memory_space<vmem>> -> memref<120x128xf32, #tpu.memory_space<vmem>>
      tpu.wait_dma2 semaphore(%run_scoped3A_463 : memref<!tpu.dma_semaphore, #tpu.memory_space<semaphore_mem>>) src(%dma_wait3A_487 : memref<120x128xf32, #tpu.memory_space<vmem>>) dst(%dma_wait3A_483 : memref<120x128xf32, #tpu.memory_space<vmem_shared>>)
      tpu.yield
    }) : () -> ()
    %add3A_22 = arith.constant 600 : i32
    %add3A_23 = arith.addi %mul3A_7, %add3A_22 : i32
    %run_scoped3A_24 = arith.constant 0 : i32
    "tpu.region"() ({
      %run_scoped3A_463 = tpu.sem_alloc : memref<!tpu.dma_semaphore, #tpu.memory_space<semaphore_mem>>
      %dma_start3A_464 = arith.constant 0 : i32
      %dma_start3A_465 = arith.constant 0 : i32
      %dma_start3A_466 = tpu.memref_slice %arg8[%run_scoped3A_24, %dma_start3A_464, %dma_start3A_465] : memref<3x120x128xf32, #tpu.memory_space<vmem>> -> memref<1x32x128xf32, #tpu.memory_space<vmem>>
      %dma_start3A_467 = tpu.memref_squeeze %dma_start3A_466 : memref<1x32x128xf32, #tpu.memory_space<vmem>> -> memref<32x128xf32, #tpu.memory_space<vmem>>
      %dma_start3A_468 = arith.constant 0 : i32
      %dma_start3A_469 = tpu.memref_slice %arg9[%add3A_23, %dma_start3A_468] : memref<10112x128xf32, #tpu.memory_space<vmem_shared>> -> memref<32x128xf32, #tpu.memory_space<vmem_shared>>
      %dma_start3A_470 = arith.constant 0 : i32
      %dma_start3A_471 = tpu.memref_slice %arg9[%add3A_23, %dma_start3A_470] : memref<10112x128xf32, #tpu.memory_space<vmem_shared>> -> memref<32x128xf32, #tpu.memory_space<vmem_shared>>
      %dma_start3A_472 = arith.constant 0 : i32
      %dma_start3A_473 = arith.constant 0 : i32
      %dma_start3A_474 = tpu.memref_slice %arg8[%run_scoped3A_24, %dma_start3A_472, %dma_start3A_473] : memref<3x120x128xf32, #tpu.memory_space<vmem>> -> memref<1x32x128xf32, #tpu.memory_space<vmem>>
      %dma_start3A_475 = tpu.memref_squeeze %dma_start3A_474 : memref<1x32x128xf32, #tpu.memory_space<vmem>> -> memref<32x128xf32, #tpu.memory_space<vmem>>
      tpu.enqueue_dma source(%dma_start3A_475 : memref<32x128xf32, #tpu.memory_space<vmem>>) target(%dma_start3A_471 : memref<32x128xf32, #tpu.memory_space<vmem_shared>>) target_semaphore(%run_scoped3A_463 : memref<!tpu.dma_semaphore, #tpu.memory_space<semaphore_mem>>)
      %dma_wait3A_476 = arith.constant 0 : i32
      %dma_wait3A_477 = arith.constant 0 : i32
      %dma_wait3A_478 = tpu.memref_slice %arg8[%run_scoped3A_24, %dma_wait3A_476, %dma_wait3A_477] : memref<3x120x128xf32, #tpu.memory_space<vmem>> -> memref<1x32x128xf32, #tpu.memory_space<vmem>>
      %dma_wait3A_479 = tpu.memref_squeeze %dma_wait3A_478 : memref<1x32x128xf32, #tpu.memory_space<vmem>> -> memref<32x128xf32, #tpu.memory_space<vmem>>
      %dma_wait3A_480 = arith.constant 0 : i32
      %dma_wait3A_481 = tpu.memref_slice %arg9[%add3A_23, %dma_wait3A_480] : memref<10112x128xf32, #tpu.memory_space<vmem_shared>> -> memref<32x128xf32, #tpu.memory_space<vmem_shared>>
      %dma_wait3A_482 = arith.constant 0 : i32
      %dma_wait3A_483 = tpu.memref_slice %arg9[%add3A_23, %dma_wait3A_482] : memref<10112x128xf32, #tpu.memory_space<vmem_shared>> -> memref<32x128xf32, #tpu.memory_space<vmem_shared>>
      %dma_wait3A_484 = arith.constant 0 : i32
      %dma_wait3A_485 = arith.constant 0 : i32
      %dma_wait3A_486 = tpu.memref_slice %arg8[%run_scoped3A_24, %dma_wait3A_484, %dma_wait3A_485] : memref<3x120x128xf32, #tpu.memory_space<vmem>> -> memref<1x32x128xf32, #tpu.memory_space<vmem>>
      %dma_wait3A_487 = tpu.memref_squeeze %dma_wait3A_486 : memref<1x32x128xf32, #tpu.memory_space<vmem>> -> memref<32x128xf32, #tpu.memory_space<vmem>>
      tpu.wait_dma2 semaphore(%run_scoped3A_463 : memref<!tpu.dma_semaphore, #tpu.memory_space<semaphore_mem>>) src(%dma_wait3A_487 : memref<32x128xf32, #tpu.memory_space<vmem>>) dst(%dma_wait3A_483 : memref<32x128xf32, #tpu.memory_space<vmem_shared>>)
      tpu.yield
    }) : () -> ()
    %barrier3A = arith.constant 0 : index
    tpu.barrier barrier_id(%barrier3A)
    %dma_start3A = arith.constant 0 : i32
    %dma_start3A_25 = arith.constant 0 : i32
    %dma_start3A_26 = arith.constant 0 : i32
    %dma_start3A_27 = tpu.memref_slice %arg6[%dma_start3A_25, %dma_start3A_26] : memref<3x120xi32, #tpu.memory_space<vmem>> -> memref<1x120xi32, #tpu.memory_space<vmem>>
    %dma_start3A_28 = tpu.memref_squeeze %dma_start3A_27 : memref<1x120xi32, #tpu.memory_space<vmem>> -> memref<120xi32, #tpu.memory_space<vmem>>
    %dma_start3A_29 = arith.constant 0 : i32
    %dma_start3A_30 = tpu.memref_slice %arg2[%add3A, %dma_start3A, %dma_start3A_29] : memref<32x84x120xi32, #tpu.memory_space<hbm>> -> memref<1x1x120xi32, #tpu.memory_space<hbm>>
    %dma_start3A_31 = tpu.memref_squeeze %dma_start3A_30 : memref<1x1x120xi32, #tpu.memory_space<hbm>> -> memref<120xi32, #tpu.memory_space<hbm>>
    %dma_start3A_32 = arith.constant 0 : i32
    %dma_start3A_33 = tpu.memref_slice %arg6[%dma_start3A_25, %dma_start3A_32] : memref<3x120xi32, #tpu.memory_space<vmem>> -> memref<1x120xi32, #tpu.memory_space<vmem>>
    %dma_start3A_34 = tpu.memref_squeeze %dma_start3A_33 : memref<1x120xi32, #tpu.memory_space<vmem>> -> memref<120xi32, #tpu.memory_space<vmem>>
    %dma_start3A_35 = arith.constant 0 : i32
    %dma_start3A_36 = tpu.memref_slice %arg2[%add3A, %dma_start3A, %dma_start3A_35] : memref<32x84x120xi32, #tpu.memory_space<hbm>> -> memref<1x1x120xi32, #tpu.memory_space<hbm>>
    %dma_start3A_37 = tpu.memref_squeeze %dma_start3A_36 : memref<1x1x120xi32, #tpu.memory_space<hbm>> -> memref<120xi32, #tpu.memory_space<hbm>>
    tpu.enqueue_dma source(%dma_start3A_37 : memref<120xi32, #tpu.memory_space<hbm>>) target(%dma_start3A_34 : memref<120xi32, #tpu.memory_space<vmem>>) target_semaphore(%arg19 : memref<!tpu.dma_semaphore, #tpu.memory_space<semaphore_mem>>)
    %dma_start3A_38 = arith.constant 0 : i32
    %dma_start3A_39 = arith.constant 0 : i32
    %dma_start3A_40 = arith.constant 0 : i32
    %dma_start3A_41 = tpu.memref_slice %arg7[%dma_start3A_39, %dma_start3A_40] : memref<3x120xi32, #tpu.memory_space<vmem>> -> memref<1x120xi32, #tpu.memory_space<vmem>>
    %dma_start3A_42 = tpu.memref_squeeze %dma_start3A_41 : memref<1x120xi32, #tpu.memory_space<vmem>> -> memref<120xi32, #tpu.memory_space<vmem>>
    %dma_start3A_43 = arith.constant 0 : i32
    %dma_start3A_44 = tpu.memref_slice %arg3[%add3A, %dma_start3A_38, %dma_start3A_43] : memref<32x84x120xi32, #tpu.memory_space<hbm>> -> memref<1x1x120xi32, #tpu.memory_space<hbm>>
    %dma_start3A_45 = tpu.memref_squeeze %dma_start3A_44 : memref<1x1x120xi32, #tpu.memory_space<hbm>> -> memref<120xi32, #tpu.memory_space<hbm>>
    %dma_start3A_46 = arith.constant 0 : i32
    %dma_start3A_47 = tpu.memref_slice %arg7[%dma_start3A_39, %dma_start3A_46] : memref<3x120xi32, #tpu.memory_space<vmem>> -> memref<1x120xi32, #tpu.memory_space<vmem>>
    %dma_start3A_48 = tpu.memref_squeeze %dma_start3A_47 : memref<1x120xi32, #tpu.memory_space<vmem>> -> memref<120xi32, #tpu.memory_space<vmem>>
    %dma_start3A_49 = arith.constant 0 : i32
    %dma_start3A_50 = tpu.memref_slice %arg3[%add3A, %dma_start3A_38, %dma_start3A_49] : memref<32x84x120xi32, #tpu.memory_space<hbm>> -> memref<1x1x120xi32, #tpu.memory_space<hbm>>
    %dma_start3A_51 = tpu.memref_squeeze %dma_start3A_50 : memref<1x1x120xi32, #tpu.memory_space<hbm>> -> memref<120xi32, #tpu.memory_space<hbm>>
    tpu.enqueue_dma source(%dma_start3A_51 : memref<120xi32, #tpu.memory_space<hbm>>) target(%dma_start3A_48 : memref<120xi32, #tpu.memory_space<vmem>>) target_semaphore(%arg13 : memref<!tpu.dma_semaphore, #tpu.memory_space<semaphore_mem>>)
    %dma_start3A_52 = arith.constant 1 : i32
    %dma_start3A_53 = arith.constant 1 : i32
    %dma_start3A_54 = arith.constant 0 : i32
    %dma_start3A_55 = tpu.memref_slice %arg6[%dma_start3A_53, %dma_start3A_54] : memref<3x120xi32, #tpu.memory_space<vmem>> -> memref<1x120xi32, #tpu.memory_space<vmem>>
    %dma_start3A_56 = tpu.memref_squeeze %dma_start3A_55 : memref<1x120xi32, #tpu.memory_space<vmem>> -> memref<120xi32, #tpu.memory_space<vmem>>
    %dma_start3A_57 = arith.constant 0 : i32
    %dma_start3A_58 = tpu.memref_slice %arg2[%add3A, %dma_start3A_52, %dma_start3A_57] : memref<32x84x120xi32, #tpu.memory_space<hbm>> -> memref<1x1x120xi32, #tpu.memory_space<hbm>>
    %dma_start3A_59 = tpu.memref_squeeze %dma_start3A_58 : memref<1x1x120xi32, #tpu.memory_space<hbm>> -> memref<120xi32, #tpu.memory_space<hbm>>
    %dma_start3A_60 = arith.constant 0 : i32
    %dma_start3A_61 = tpu.memref_slice %arg6[%dma_start3A_53, %dma_start3A_60] : memref<3x120xi32, #tpu.memory_space<vmem>> -> memref<1x120xi32, #tpu.memory_space<vmem>>
    %dma_start3A_62 = tpu.memref_squeeze %dma_start3A_61 : memref<1x120xi32, #tpu.memory_space<vmem>> -> memref<120xi32, #tpu.memory_space<vmem>>
    %dma_start3A_63 = arith.constant 0 : i32
    %dma_start3A_64 = tpu.memref_slice %arg2[%add3A, %dma_start3A_52, %dma_start3A_63] : memref<32x84x120xi32, #tpu.memory_space<hbm>> -> memref<1x1x120xi32, #tpu.memory_space<hbm>>
    %dma_start3A_65 = tpu.memref_squeeze %dma_start3A_64 : memref<1x1x120xi32, #tpu.memory_space<hbm>> -> memref<120xi32, #tpu.memory_space<hbm>>
    tpu.enqueue_dma source(%dma_start3A_65 : memref<120xi32, #tpu.memory_space<hbm>>) target(%dma_start3A_62 : memref<120xi32, #tpu.memory_space<vmem>>) target_semaphore(%arg20 : memref<!tpu.dma_semaphore, #tpu.memory_space<semaphore_mem>>)
    %dma_start3A_66 = arith.constant 1 : i32
    %dma_start3A_67 = arith.constant 1 : i32
    %dma_start3A_68 = arith.constant 0 : i32
    %dma_start3A_69 = tpu.memref_slice %arg7[%dma_start3A_67, %dma_start3A_68] : memref<3x120xi32, #tpu.memory_space<vmem>> -> memref<1x120xi32, #tpu.memory_space<vmem>>
    %dma_start3A_70 = tpu.memref_squeeze %dma_start3A_69 : memref<1x120xi32, #tpu.memory_space<vmem>> -> memref<120xi32, #tpu.memory_space<vmem>>
    %dma_start3A_71 = arith.constant 0 : i32
    %dma_start3A_72 = tpu.memref_slice %arg3[%add3A, %dma_start3A_66, %dma_start3A_71] : memref<32x84x120xi32, #tpu.memory_space<hbm>> -> memref<1x1x120xi32, #tpu.memory_space<hbm>>
    %dma_start3A_73 = tpu.memref_squeeze %dma_start3A_72 : memref<1x1x120xi32, #tpu.memory_space<hbm>> -> memref<120xi32, #tpu.memory_space<hbm>>
    %dma_start3A_74 = arith.constant 0 : i32
    %dma_start3A_75 = tpu.memref_slice %arg7[%dma_start3A_67, %dma_start3A_74] : memref<3x120xi32, #tpu.memory_space<vmem>> -> memref<1x120xi32, #tpu.memory_space<vmem>>
    %dma_start3A_76 = tpu.memref_squeeze %dma_start3A_75 : memref<1x120xi32, #tpu.memory_space<vmem>> -> memref<120xi32, #tpu.memory_space<vmem>>
    %dma_start3A_77 = arith.constant 0 : i32
    %dma_start3A_78 = tpu.memref_slice %arg3[%add3A, %dma_start3A_66, %dma_start3A_77] : memref<32x84x120xi32, #tpu.memory_space<hbm>> -> memref<1x1x120xi32, #tpu.memory_space<hbm>>
    %dma_start3A_79 = tpu.memref_squeeze %dma_start3A_78 : memref<1x1x120xi32, #tpu.memory_space<hbm>> -> memref<120xi32, #tpu.memory_space<hbm>>
    tpu.enqueue_dma source(%dma_start3A_79 : memref<120xi32, #tpu.memory_space<hbm>>) target(%dma_start3A_76 : memref<120xi32, #tpu.memory_space<vmem>>) target_semaphore(%arg14 : memref<!tpu.dma_semaphore, #tpu.memory_space<semaphore_mem>>)
    %dma_start3A_80 = arith.constant 2 : i32
    %dma_start3A_81 = arith.constant 2 : i32
    %dma_start3A_82 = arith.constant 0 : i32
    %dma_start3A_83 = tpu.memref_slice %arg6[%dma_start3A_81, %dma_start3A_82] : memref<3x120xi32, #tpu.memory_space<vmem>> -> memref<1x120xi32, #tpu.memory_space<vmem>>
    %dma_start3A_84 = tpu.memref_squeeze %dma_start3A_83 : memref<1x120xi32, #tpu.memory_space<vmem>> -> memref<120xi32, #tpu.memory_space<vmem>>
    %dma_start3A_85 = arith.constant 0 : i32
    %dma_start3A_86 = tpu.memref_slice %arg2[%add3A, %dma_start3A_80, %dma_start3A_85] : memref<32x84x120xi32, #tpu.memory_space<hbm>> -> memref<1x1x120xi32, #tpu.memory_space<hbm>>
    %dma_start3A_87 = tpu.memref_squeeze %dma_start3A_86 : memref<1x1x120xi32, #tpu.memory_space<hbm>> -> memref<120xi32, #tpu.memory_space<hbm>>
    %dma_start3A_88 = arith.constant 0 : i32
    %dma_start3A_89 = tpu.memref_slice %arg6[%dma_start3A_81, %dma_start3A_88] : memref<3x120xi32, #tpu.memory_space<vmem>> -> memref<1x120xi32, #tpu.memory_space<vmem>>
    %dma_start3A_90 = tpu.memref_squeeze %dma_start3A_89 : memref<1x120xi32, #tpu.memory_space<vmem>> -> memref<120xi32, #tpu.memory_space<vmem>>
    %dma_start3A_91 = arith.constant 0 : i32
    %dma_start3A_92 = tpu.memref_slice %arg2[%add3A, %dma_start3A_80, %dma_start3A_91] : memref<32x84x120xi32, #tpu.memory_space<hbm>> -> memref<1x1x120xi32, #tpu.memory_space<hbm>>
    %dma_start3A_93 = tpu.memref_squeeze %dma_start3A_92 : memref<1x1x120xi32, #tpu.memory_space<hbm>> -> memref<120xi32, #tpu.memory_space<hbm>>
    tpu.enqueue_dma source(%dma_start3A_93 : memref<120xi32, #tpu.memory_space<hbm>>) target(%dma_start3A_90 : memref<120xi32, #tpu.memory_space<vmem>>) target_semaphore(%arg21 : memref<!tpu.dma_semaphore, #tpu.memory_space<semaphore_mem>>)
    %dma_start3A_94 = arith.constant 2 : i32
    %dma_start3A_95 = arith.constant 2 : i32
    %dma_start3A_96 = arith.constant 0 : i32
    %dma_start3A_97 = tpu.memref_slice %arg7[%dma_start3A_95, %dma_start3A_96] : memref<3x120xi32, #tpu.memory_space<vmem>> -> memref<1x120xi32, #tpu.memory_space<vmem>>
    %dma_start3A_98 = tpu.memref_squeeze %dma_start3A_97 : memref<1x120xi32, #tpu.memory_space<vmem>> -> memref<120xi32, #tpu.memory_space<vmem>>
    %dma_start3A_99 = arith.constant 0 : i32
    %dma_start3A_100 = tpu.memref_slice %arg3[%add3A, %dma_start3A_94, %dma_start3A_99] : memref<32x84x120xi32, #tpu.memory_space<hbm>> -> memref<1x1x120xi32, #tpu.memory_space<hbm>>
    %dma_start3A_101 = tpu.memref_squeeze %dma_start3A_100 : memref<1x1x120xi32, #tpu.memory_space<hbm>> -> memref<120xi32, #tpu.memory_space<hbm>>
    %dma_start3A_102 = arith.constant 0 : i32
    %dma_start3A_103 = tpu.memref_slice %arg7[%dma_start3A_95, %dma_start3A_102] : memref<3x120xi32, #tpu.memory_space<vmem>> -> memref<1x120xi32, #tpu.memory_space<vmem>>
    %dma_start3A_104 = tpu.memref_squeeze %dma_start3A_103 : memref<1x120xi32, #tpu.memory_space<vmem>> -> memref<120xi32, #tpu.memory_space<vmem>>
    %dma_start3A_105 = arith.constant 0 : i32
    %dma_start3A_106 = tpu.memref_slice %arg3[%add3A, %dma_start3A_94, %dma_start3A_105] : memref<32x84x120xi32, #tpu.memory_space<hbm>> -> memref<1x1x120xi32, #tpu.memory_space<hbm>>
    %dma_start3A_107 = tpu.memref_squeeze %dma_start3A_106 : memref<1x1x120xi32, #tpu.memory_space<hbm>> -> memref<120xi32, #tpu.memory_space<hbm>>
    tpu.enqueue_dma source(%dma_start3A_107 : memref<120xi32, #tpu.memory_space<hbm>>) target(%dma_start3A_104 : memref<120xi32, #tpu.memory_space<vmem>>) target_semaphore(%arg15 : memref<!tpu.dma_semaphore, #tpu.memory_space<semaphore_mem>>)
    %dma_wait3A = arith.constant 0 : i32
    %dma_wait3A_108 = arith.constant 0 : i32
    %dma_wait3A_109 = arith.constant 0 : i32
    %dma_wait3A_110 = tpu.memref_slice %arg6[%dma_wait3A_108, %dma_wait3A_109] : memref<3x120xi32, #tpu.memory_space<vmem>> -> memref<1x120xi32, #tpu.memory_space<vmem>>
    %dma_wait3A_111 = tpu.memref_squeeze %dma_wait3A_110 : memref<1x120xi32, #tpu.memory_space<vmem>> -> memref<120xi32, #tpu.memory_space<vmem>>
    %dma_wait3A_112 = arith.constant 0 : i32
    %dma_wait3A_113 = tpu.memref_slice %arg2[%add3A, %dma_wait3A, %dma_wait3A_112] : memref<32x84x120xi32, #tpu.memory_space<hbm>> -> memref<1x1x120xi32, #tpu.memory_space<hbm>>
    %dma_wait3A_114 = tpu.memref_squeeze %dma_wait3A_113 : memref<1x1x120xi32, #tpu.memory_space<hbm>> -> memref<120xi32, #tpu.memory_space<hbm>>
    %dma_wait3A_115 = arith.constant 0 : i32
    %dma_wait3A_116 = tpu.memref_slice %arg6[%dma_wait3A_108, %dma_wait3A_115] : memref<3x120xi32, #tpu.memory_space<vmem>> -> memref<1x120xi32, #tpu.memory_space<vmem>>
    %dma_wait3A_117 = tpu.memref_squeeze %dma_wait3A_116 : memref<1x120xi32, #tpu.memory_space<vmem>> -> memref<120xi32, #tpu.memory_space<vmem>>
    %dma_wait3A_118 = arith.constant 0 : i32
    %dma_wait3A_119 = tpu.memref_slice %arg2[%add3A, %dma_wait3A, %dma_wait3A_118] : memref<32x84x120xi32, #tpu.memory_space<hbm>> -> memref<1x1x120xi32, #tpu.memory_space<hbm>>
    %dma_wait3A_120 = tpu.memref_squeeze %dma_wait3A_119 : memref<1x1x120xi32, #tpu.memory_space<hbm>> -> memref<120xi32, #tpu.memory_space<hbm>>
    tpu.wait_dma2 semaphore(%arg19 : memref<!tpu.dma_semaphore, #tpu.memory_space<semaphore_mem>>) src(%dma_wait3A_120 : memref<120xi32, #tpu.memory_space<hbm>>) dst(%dma_wait3A_117 : memref<120xi32, #tpu.memory_space<vmem>>)
    %dma_start3A_121 = arith.constant 0 : i32
    %dma_start3A_122 = arith.constant 0 : i32
    %dma_start3A_123 = arith.constant 0 : i32
    %dma_start3A_124 = arith.constant 0 : i32
    %dma_start3A_125 = tpu.memref_slice %arg8[%dma_start3A_122, %dma_start3A_123, %dma_start3A_124] : memref<3x120x128xf32, #tpu.memory_space<vmem>> -> memref<1x120x128xf32, #tpu.memory_space<vmem>>
    %dma_start3A_126 = tpu.memref_squeeze %dma_start3A_125 : memref<1x120x128xf32, #tpu.memory_space<vmem>> -> memref<120x128xf32, #tpu.memory_space<vmem>>
    %dma_start3A_127 = arith.constant 0 : i32
    %dma_start3A_128 = tpu.memref_slice %arg6[%dma_start3A_121, %dma_start3A_127] : memref<3x120xi32, #tpu.memory_space<vmem>> -> memref<1x120xi32, #tpu.memory_space<vmem>>
    %dma_start3A_129 = tpu.memref_squeeze %dma_start3A_128 : memref<1x120xi32, #tpu.memory_space<vmem>> -> memref<120xi32, #tpu.memory_space<vmem>>
    %dma_start3A_130 = arith.constant 0 : i32
    %dma_start3A_131 = arith.constant 0 : i32
    %dma_start3A_132 = tpu.memref_slice %arg4[%dma_start3A_130, %dma_start3A_131] : memref<10000x128xf32, #tpu.memory_space<hbm>> -> memref<10000x128xf32, #tpu.memory_space<hbm>>
    tpu.enqueue_indirect_dma source(%dma_start3A_132 : memref<10000x128xf32, #tpu.memory_space<hbm>>) target(%dma_start3A_126 : memref<120x128xf32, #tpu.memory_space<vmem>>) offsets(%dma_start3A_129 : memref<120xi32, #tpu.memory_space<vmem>>) semaphore(%arg10 : memref<!tpu.dma_semaphore, #tpu.memory_space<semaphore_mem>>)
    %dma_wait3A_133 = arith.constant 0 : i32
    %dma_wait3A_134 = arith.constant 1 : i32
    %dma_wait3A_135 = arith.constant 0 : i32
    %dma_wait3A_136 = tpu.memref_slice %arg6[%dma_wait3A_134, %dma_wait3A_135] : memref<3x120xi32, #tpu.memory_space<vmem>> -> memref<1x120xi32, #tpu.memory_space<vmem>>
    %dma_wait3A_137 = tpu.memref_squeeze %dma_wait3A_136 : memref<1x120xi32, #tpu.memory_space<vmem>> -> memref<120xi32, #tpu.memory_space<vmem>>
    %dma_wait3A_138 = arith.constant 0 : i32
    %dma_wait3A_139 = tpu.memref_slice %arg2[%add3A, %dma_wait3A_133, %dma_wait3A_138] : memref<32x84x120xi32, #tpu.memory_space<hbm>> -> memref<1x1x120xi32, #tpu.memory_space<hbm>>
    %dma_wait3A_140 = tpu.memref_squeeze %dma_wait3A_139 : memref<1x1x120xi32, #tpu.memory_space<hbm>> -> memref<120xi32, #tpu.memory_space<hbm>>
    %dma_wait3A_141 = arith.constant 0 : i32
    %dma_wait3A_142 = tpu.memref_slice %arg6[%dma_wait3A_134, %dma_wait3A_141] : memref<3x120xi32, #tpu.memory_space<vmem>> -> memref<1x120xi32, #tpu.memory_space<vmem>>
    %dma_wait3A_143 = tpu.memref_squeeze %dma_wait3A_142 : memref<1x120xi32, #tpu.memory_space<vmem>> -> memref<120xi32, #tpu.memory_space<vmem>>
    %dma_wait3A_144 = arith.constant 0 : i32
    %dma_wait3A_145 = tpu.memref_slice %arg2[%add3A, %dma_wait3A_133, %dma_wait3A_144] : memref<32x84x120xi32, #tpu.memory_space<hbm>> -> memref<1x1x120xi32, #tpu.memory_space<hbm>>
    %dma_wait3A_146 = tpu.memref_squeeze %dma_wait3A_145 : memref<1x1x120xi32, #tpu.memory_space<hbm>> -> memref<120xi32, #tpu.memory_space<hbm>>
    tpu.wait_dma2 semaphore(%arg20 : memref<!tpu.dma_semaphore, #tpu.memory_space<semaphore_mem>>) src(%dma_wait3A_146 : memref<120xi32, #tpu.memory_space<hbm>>) dst(%dma_wait3A_143 : memref<120xi32, #tpu.memory_space<vmem>>)
    %dma_start3A_147 = arith.constant 1 : i32
    %dma_start3A_148 = arith.constant 1 : i32
    %dma_start3A_149 = arith.constant 0 : i32
    %dma_start3A_150 = arith.constant 0 : i32
    %dma_start3A_151 = tpu.memref_slice %arg8[%dma_start3A_148, %dma_start3A_149, %dma_start3A_150] : memref<3x120x128xf32, #tpu.memory_space<vmem>> -> memref<1x120x128xf32, #tpu.memory_space<vmem>>
    %dma_start3A_152 = tpu.memref_squeeze %dma_start3A_151 : memref<1x120x128xf32, #tpu.memory_space<vmem>> -> memref<120x128xf32, #tpu.memory_space<vmem>>
    %dma_start3A_153 = arith.constant 0 : i32
    %dma_start3A_154 = tpu.memref_slice %arg6[%dma_start3A_147, %dma_start3A_153] : memref<3x120xi32, #tpu.memory_space<vmem>> -> memref<1x120xi32, #tpu.memory_space<vmem>>
    %dma_start3A_155 = tpu.memref_squeeze %dma_start3A_154 : memref<1x120xi32, #tpu.memory_space<vmem>> -> memref<120xi32, #tpu.memory_space<vmem>>
    %dma_start3A_156 = arith.constant 0 : i32
    %dma_start3A_157 = arith.constant 0 : i32
    %dma_start3A_158 = tpu.memref_slice %arg4[%dma_start3A_156, %dma_start3A_157] : memref<10000x128xf32, #tpu.memory_space<hbm>> -> memref<10000x128xf32, #tpu.memory_space<hbm>>
    tpu.enqueue_indirect_dma source(%dma_start3A_158 : memref<10000x128xf32, #tpu.memory_space<hbm>>) target(%dma_start3A_152 : memref<120x128xf32, #tpu.memory_space<vmem>>) offsets(%dma_start3A_155 : memref<120xi32, #tpu.memory_space<vmem>>) semaphore(%arg11 : memref<!tpu.dma_semaphore, #tpu.memory_space<semaphore_mem>>)
    %dma_wait3A_159 = arith.constant 0 : i32
    %dma_wait3A_160 = arith.constant 2 : i32
    %dma_wait3A_161 = arith.constant 0 : i32
    %dma_wait3A_162 = tpu.memref_slice %arg6[%dma_wait3A_160, %dma_wait3A_161] : memref<3x120xi32, #tpu.memory_space<vmem>> -> memref<1x120xi32, #tpu.memory_space<vmem>>
    %dma_wait3A_163 = tpu.memref_squeeze %dma_wait3A_162 : memref<1x120xi32, #tpu.memory_space<vmem>> -> memref<120xi32, #tpu.memory_space<vmem>>
    %dma_wait3A_164 = arith.constant 0 : i32
    %dma_wait3A_165 = tpu.memref_slice %arg2[%add3A, %dma_wait3A_159, %dma_wait3A_164] : memref<32x84x120xi32, #tpu.memory_space<hbm>> -> memref<1x1x120xi32, #tpu.memory_space<hbm>>
    %dma_wait3A_166 = tpu.memref_squeeze %dma_wait3A_165 : memref<1x1x120xi32, #tpu.memory_space<hbm>> -> memref<120xi32, #tpu.memory_space<hbm>>
    %dma_wait3A_167 = arith.constant 0 : i32
    %dma_wait3A_168 = tpu.memref_slice %arg6[%dma_wait3A_160, %dma_wait3A_167] : memref<3x120xi32, #tpu.memory_space<vmem>> -> memref<1x120xi32, #tpu.memory_space<vmem>>
    %dma_wait3A_169 = tpu.memref_squeeze %dma_wait3A_168 : memref<1x120xi32, #tpu.memory_space<vmem>> -> memref<120xi32, #tpu.memory_space<vmem>>
    %dma_wait3A_170 = arith.constant 0 : i32
    %dma_wait3A_171 = tpu.memref_slice %arg2[%add3A, %dma_wait3A_159, %dma_wait3A_170] : memref<32x84x120xi32, #tpu.memory_space<hbm>> -> memref<1x1x120xi32, #tpu.memory_space<hbm>>
    %dma_wait3A_172 = tpu.memref_squeeze %dma_wait3A_171 : memref<1x1x120xi32, #tpu.memory_space<hbm>> -> memref<120xi32, #tpu.memory_space<hbm>>
    tpu.wait_dma2 semaphore(%arg21 : memref<!tpu.dma_semaphore, #tpu.memory_space<semaphore_mem>>) src(%dma_wait3A_172 : memref<120xi32, #tpu.memory_space<hbm>>) dst(%dma_wait3A_169 : memref<120xi32, #tpu.memory_space<vmem>>)
    %dma_start3A_173 = arith.constant 2 : i32
    %dma_start3A_174 = arith.constant 2 : i32
    %dma_start3A_175 = arith.constant 0 : i32
    %dma_start3A_176 = arith.constant 0 : i32
    %dma_start3A_177 = tpu.memref_slice %arg8[%dma_start3A_174, %dma_start3A_175, %dma_start3A_176] : memref<3x120x128xf32, #tpu.memory_space<vmem>> -> memref<1x120x128xf32, #tpu.memory_space<vmem>>
    %dma_start3A_178 = tpu.memref_squeeze %dma_start3A_177 : memref<1x120x128xf32, #tpu.memory_space<vmem>> -> memref<120x128xf32, #tpu.memory_space<vmem>>
    %dma_start3A_179 = arith.constant 0 : i32
    %dma_start3A_180 = tpu.memref_slice %arg6[%dma_start3A_173, %dma_start3A_179] : memref<3x120xi32, #tpu.memory_space<vmem>> -> memref<1x120xi32, #tpu.memory_space<vmem>>
    %dma_start3A_181 = tpu.memref_squeeze %dma_start3A_180 : memref<1x120xi32, #tpu.memory_space<vmem>> -> memref<120xi32, #tpu.memory_space<vmem>>
    %dma_start3A_182 = arith.constant 0 : i32
    %dma_start3A_183 = arith.constant 0 : i32
    %dma_start3A_184 = tpu.memref_slice %arg4[%dma_start3A_182, %dma_start3A_183] : memref<10000x128xf32, #tpu.memory_space<hbm>> -> memref<10000x128xf32, #tpu.memory_space<hbm>>
    tpu.enqueue_indirect_dma source(%dma_start3A_184 : memref<10000x128xf32, #tpu.memory_space<hbm>>) target(%dma_start3A_178 : memref<120x128xf32, #tpu.memory_space<vmem>>) offsets(%dma_start3A_181 : memref<120xi32, #tpu.memory_space<vmem>>) semaphore(%arg12 : memref<!tpu.dma_semaphore, #tpu.memory_space<semaphore_mem>>)
    %dma_wait3A_185 = arith.constant 0 : i32
    %dma_wait3A_186 = arith.constant 0 : i32
    %dma_wait3A_187 = arith.constant 0 : i32
    %dma_wait3A_188 = arith.constant 0 : i32
    %dma_wait3A_189 = tpu.memref_slice %arg8[%dma_wait3A_186, %dma_wait3A_187, %dma_wait3A_188] : memref<3x120x128xf32, #tpu.memory_space<vmem>> -> memref<1x120x128xf32, #tpu.memory_space<vmem>>
    %dma_wait3A_190 = tpu.memref_squeeze %dma_wait3A_189 : memref<1x120x128xf32, #tpu.memory_space<vmem>> -> memref<120x128xf32, #tpu.memory_space<vmem>>
    %dma_wait3A_191 = arith.constant 0 : i32
    %dma_wait3A_192 = tpu.memref_slice %arg6[%dma_wait3A_185, %dma_wait3A_191] : memref<3x120xi32, #tpu.memory_space<vmem>> -> memref<1x120xi32, #tpu.memory_space<vmem>>
    %dma_wait3A_193 = tpu.memref_squeeze %dma_wait3A_192 : memref<1x120xi32, #tpu.memory_space<vmem>> -> memref<120xi32, #tpu.memory_space<vmem>>
    %dma_wait3A_194 = arith.constant 0 : i32
    %dma_wait3A_195 = arith.constant 0 : i32
    %dma_wait3A_196 = tpu.memref_slice %arg4[%dma_wait3A_194, %dma_wait3A_195] : memref<10000x128xf32, #tpu.memory_space<hbm>> -> memref<10000x128xf32, #tpu.memory_space<hbm>>
    tpu.wait_indirect_dma semaphore(%arg10 : memref<!tpu.dma_semaphore, #tpu.memory_space<semaphore_mem>>) src(%dma_wait3A_196 : memref<10000x128xf32, #tpu.memory_space<hbm>>) dst(%dma_wait3A_190 : memref<120x128xf32, #tpu.memory_space<vmem>>)
    %dma_wait3A_197 = arith.constant 0 : i32
    %dma_wait3A_198 = arith.constant 0 : i32
    %dma_wait3A_199 = arith.constant 0 : i32
    %dma_wait3A_200 = tpu.memref_slice %arg7[%dma_wait3A_198, %dma_wait3A_199] : memref<3x120xi32, #tpu.memory_space<vmem>> -> memref<1x120xi32, #tpu.memory_space<vmem>>
    %dma_wait3A_201 = tpu.memref_squeeze %dma_wait3A_200 : memref<1x120xi32, #tpu.memory_space<vmem>> -> memref<120xi32, #tpu.memory_space<vmem>>
    %dma_wait3A_202 = arith.constant 0 : i32
    %dma_wait3A_203 = tpu.memref_slice %arg3[%add3A, %dma_wait3A_197, %dma_wait3A_202] : memref<32x84x120xi32, #tpu.memory_space<hbm>> -> memref<1x1x120xi32, #tpu.memory_space<hbm>>
    %dma_wait3A_204 = tpu.memref_squeeze %dma_wait3A_203 : memref<1x1x120xi32, #tpu.memory_space<hbm>> -> memref<120xi32, #tpu.memory_space<hbm>>
    %dma_wait3A_205 = arith.constant 0 : i32
    %dma_wait3A_206 = tpu.memref_slice %arg7[%dma_wait3A_198, %dma_wait3A_205] : memref<3x120xi32, #tpu.memory_space<vmem>> -> memref<1x120xi32, #tpu.memory_space<vmem>>
    %dma_wait3A_207 = tpu.memref_squeeze %dma_wait3A_206 : memref<1x120xi32, #tpu.memory_space<vmem>> -> memref<120xi32, #tpu.memory_space<vmem>>
    %dma_wait3A_208 = arith.constant 0 : i32
    %dma_wait3A_209 = tpu.memref_slice %arg3[%add3A, %dma_wait3A_197, %dma_wait3A_208] : memref<32x84x120xi32, #tpu.memory_space<hbm>> -> memref<1x1x120xi32, #tpu.memory_space<hbm>>
    %dma_wait3A_210 = tpu.memref_squeeze %dma_wait3A_209 : memref<1x1x120xi32, #tpu.memory_space<hbm>> -> memref<120xi32, #tpu.memory_space<hbm>>
    tpu.wait_dma2 semaphore(%arg13 : memref<!tpu.dma_semaphore, #tpu.memory_space<semaphore_mem>>) src(%dma_wait3A_210 : memref<120xi32, #tpu.memory_space<hbm>>) dst(%dma_wait3A_207 : memref<120xi32, #tpu.memory_space<vmem>>)
    %dma_start3A_211 = arith.constant 3 : i32
    %dma_start3A_212 = arith.constant 0 : i32
    %dma_start3A_213 = arith.constant 0 : i32
    %dma_start3A_214 = tpu.memref_slice %arg6[%dma_start3A_212, %dma_start3A_213] : memref<3x120xi32, #tpu.memory_space<vmem>> -> memref<1x120xi32, #tpu.memory_space<vmem>>
    %dma_start3A_215 = tpu.memref_squeeze %dma_start3A_214 : memref<1x120xi32, #tpu.memory_space<vmem>> -> memref<120xi32, #tpu.memory_space<vmem>>
    %dma_start3A_216 = arith.constant 0 : i32
    %dma_start3A_217 = tpu.memref_slice %arg2[%add3A, %dma_start3A_211, %dma_start3A_216] : memref<32x84x120xi32, #tpu.memory_space<hbm>> -> memref<1x1x120xi32, #tpu.memory_space<hbm>>
    %dma_start3A_218 = tpu.memref_squeeze %dma_start3A_217 : memref<1x1x120xi32, #tpu.memory_space<hbm>> -> memref<120xi32, #tpu.memory_space<hbm>>
    %dma_start3A_219 = arith.constant 0 : i32
    %dma_start3A_220 = tpu.memref_slice %arg6[%dma_start3A_212, %dma_start3A_219] : memref<3x120xi32, #tpu.memory_space<vmem>> -> memref<1x120xi32, #tpu.memory_space<vmem>>
    %dma_start3A_221 = tpu.memref_squeeze %dma_start3A_220 : memref<1x120xi32, #tpu.memory_space<vmem>> -> memref<120xi32, #tpu.memory_space<vmem>>
    %dma_start3A_222 = arith.constant 0 : i32
    %dma_start3A_223 = tpu.memref_slice %arg2[%add3A, %dma_start3A_211, %dma_start3A_222] : memref<32x84x120xi32, #tpu.memory_space<hbm>> -> memref<1x1x120xi32, #tpu.memory_space<hbm>>
    %dma_start3A_224 = tpu.memref_squeeze %dma_start3A_223 : memref<1x1x120xi32, #tpu.memory_space<hbm>> -> memref<120xi32, #tpu.memory_space<hbm>>
    tpu.enqueue_dma source(%dma_start3A_224 : memref<120xi32, #tpu.memory_space<hbm>>) target(%dma_start3A_221 : memref<120xi32, #tpu.memory_space<vmem>>) target_semaphore(%arg19 : memref<!tpu.dma_semaphore, #tpu.memory_space<semaphore_mem>>)
    %dma_start3A_225 = arith.constant 0 : i32
    %dma_start3A_226 = arith.constant 0 : i32
    %dma_start3A_227 = arith.constant 0 : i32
    %dma_start3A_228 = arith.constant 0 : i32
    %dma_start3A_229 = tpu.memref_slice %arg8[%dma_start3A_225, %dma_start3A_227, %dma_start3A_228] : memref<3x120x128xf32, #tpu.memory_space<vmem>> -> memref<1x120x128xf32, #tpu.memory_space<vmem>>
    %dma_start3A_230 = tpu.memref_squeeze %dma_start3A_229 : memref<1x120x128xf32, #tpu.memory_space<vmem>> -> memref<120x128xf32, #tpu.memory_space<vmem>>
    %dma_start3A_231 = arith.constant 0 : i32
    %dma_start3A_232 = tpu.memref_slice %arg7[%dma_start3A_226, %dma_start3A_231] : memref<3x120xi32, #tpu.memory_space<vmem>> -> memref<1x120xi32, #tpu.memory_space<vmem>>
    %dma_start3A_233 = tpu.memref_squeeze %dma_start3A_232 : memref<1x120xi32, #tpu.memory_space<vmem>> -> memref<120xi32, #tpu.memory_space<vmem>>
    %dma_start3A_234 = arith.constant 0 : i32
    %dma_start3A_235 = arith.constant 0 : i32
    %dma_start3A_236 = tpu.memref_slice %arg9[%dma_start3A_234, %dma_start3A_235] : memref<10112x128xf32, #tpu.memory_space<vmem_shared>> -> memref<10112x128xf32, #tpu.memory_space<vmem_shared>>
    tpu.enqueue_indirect_dma source(%dma_start3A_230 : memref<120x128xf32, #tpu.memory_space<vmem>>) target(%dma_start3A_236 : memref<10112x128xf32, #tpu.memory_space<vmem_shared>>) offsets(%dma_start3A_233 : memref<120xi32, #tpu.memory_space<vmem>>) semaphore(%arg16 : memref<!tpu.dma_semaphore, #tpu.memory_space<semaphore_mem>>) {add = true}
    %dma_wait3A_237 = arith.constant 0 : i32
    %dma_wait3A_238 = arith.constant 1 : i32
    %dma_wait3A_239 = arith.constant 0 : i32
    %dma_wait3A_240 = arith.constant 0 : i32
    %dma_wait3A_241 = tpu.memref_slice %arg8[%dma_wait3A_238, %dma_wait3A_239, %dma_wait3A_240] : memref<3x120x128xf32, #tpu.memory_space<vmem>> -> memref<1x120x128xf32, #tpu.memory_space<vmem>>
    %dma_wait3A_242 = tpu.memref_squeeze %dma_wait3A_241 : memref<1x120x128xf32, #tpu.memory_space<vmem>> -> memref<120x128xf32, #tpu.memory_space<vmem>>
    %dma_wait3A_243 = arith.constant 0 : i32
    %dma_wait3A_244 = tpu.memref_slice %arg6[%dma_wait3A_237, %dma_wait3A_243] : memref<3x120xi32, #tpu.memory_space<vmem>> -> memref<1x120xi32, #tpu.memory_space<vmem>>
    %dma_wait3A_245 = tpu.memref_squeeze %dma_wait3A_244 : memref<1x120xi32, #tpu.memory_space<vmem>> -> memref<120xi32, #tpu.memory_space<vmem>>
    %dma_wait3A_246 = arith.constant 0 : i32
    %dma_wait3A_247 = arith.constant 0 : i32
    %dma_wait3A_248 = tpu.memref_slice %arg4[%dma_wait3A_246, %dma_wait3A_247] : memref<10000x128xf32, #tpu.memory_space<hbm>> -> memref<10000x128xf32, #tpu.memory_space<hbm>>
    tpu.wait_indirect_dma semaphore(%arg11 : memref<!tpu.dma_semaphore, #tpu.memory_space<semaphore_mem>>) src(%dma_wait3A_248 : memref<10000x128xf32, #tpu.memory_space<hbm>>) dst(%dma_wait3A_242 : memref<120x128xf32, #tpu.memory_space<vmem>>)
    %dma_wait3A_249 = arith.constant 0 : i32
    %dma_wait3A_250 = arith.constant 1 : i32
    %dma_wait3A_251 = arith.constant 0 : i32
    %dma_wait3A_252 = tpu.memref_slice %arg7[%dma_wait3A_250, %dma_wait3A_251] : memref<3x120xi32, #tpu.memory_space<vmem>> -> memref<1x120xi32, #tpu.memory_space<vmem>>
    %dma_wait3A_253 = tpu.memref_squeeze %dma_wait3A_252 : memref<1x120xi32, #tpu.memory_space<vmem>> -> memref<120xi32, #tpu.memory_space<vmem>>
    %dma_wait3A_254 = arith.constant 0 : i32
    %dma_wait3A_255 = tpu.memref_slice %arg3[%add3A, %dma_wait3A_249, %dma_wait3A_254] : memref<32x84x120xi32, #tpu.memory_space<hbm>> -> memref<1x1x120xi32, #tpu.memory_space<hbm>>
    %dma_wait3A_256 = tpu.memref_squeeze %dma_wait3A_255 : memref<1x1x120xi32, #tpu.memory_space<hbm>> -> memref<120xi32, #tpu.memory_space<hbm>>
    %dma_wait3A_257 = arith.constant 0 : i32
    %dma_wait3A_258 = tpu.memref_slice %arg7[%dma_wait3A_250, %dma_wait3A_257] : memref<3x120xi32, #tpu.memory_space<vmem>> -> memref<1x120xi32, #tpu.memory_space<vmem>>
    %dma_wait3A_259 = tpu.memref_squeeze %dma_wait3A_258 : memref<1x120xi32, #tpu.memory_space<vmem>> -> memref<120xi32, #tpu.memory_space<vmem>>
    %dma_wait3A_260 = arith.constant 0 : i32
    %dma_wait3A_261 = tpu.memref_slice %arg3[%add3A, %dma_wait3A_249, %dma_wait3A_260] : memref<32x84x120xi32, #tpu.memory_space<hbm>> -> memref<1x1x120xi32, #tpu.memory_space<hbm>>
    %dma_wait3A_262 = tpu.memref_squeeze %dma_wait3A_261 : memref<1x1x120xi32, #tpu.memory_space<hbm>> -> memref<120xi32, #tpu.memory_space<hbm>>
    tpu.wait_dma2 semaphore(%arg14 : memref<!tpu.dma_semaphore, #tpu.memory_space<semaphore_mem>>) src(%dma_wait3A_262 : memref<120xi32, #tpu.memory_space<hbm>>) dst(%dma_wait3A_259 : memref<120xi32, #tpu.memory_space<vmem>>)
    %dma_start3A_263 = arith.constant 4 : i32
    %dma_start3A_264 = arith.constant 1 : i32
    %dma_start3A_265 = arith.constant 0 : i32
    %dma_start3A_266 = tpu.memref_slice %arg6[%dma_start3A_264, %dma_start3A_265] : memref<3x120xi32, #tpu.memory_space<vmem>> -> memref<1x120xi32, #tpu.memory_space<vmem>>
    %dma_start3A_267 = tpu.memref_squeeze %dma_start3A_266 : memref<1x120xi32, #tpu.memory_space<vmem>> -> memref<120xi32, #tpu.memory_space<vmem>>
    %dma_start3A_268 = arith.constant 0 : i32
    %dma_start3A_269 = tpu.memref_slice %arg2[%add3A, %dma_start3A_263, %dma_start3A_268] : memref<32x84x120xi32, #tpu.memory_space<hbm>> -> memref<1x1x120xi32, #tpu.memory_space<hbm>>
    %dma_start3A_270 = tpu.memref_squeeze %dma_start3A_269 : memref<1x1x120xi32, #tpu.memory_space<hbm>> -> memref<120xi32, #tpu.memory_space<hbm>>
    %dma_start3A_271 = arith.constant 0 : i32
    %dma_start3A_272 = tpu.memref_slice %arg6[%dma_start3A_264, %dma_start3A_271] : memref<3x120xi32, #tpu.memory_space<vmem>> -> memref<1x120xi32, #tpu.memory_space<vmem>>
    %dma_start3A_273 = tpu.memref_squeeze %dma_start3A_272 : memref<1x120xi32, #tpu.memory_space<vmem>> -> memref<120xi32, #tpu.memory_space<vmem>>
    %dma_start3A_274 = arith.constant 0 : i32
    %dma_start3A_275 = tpu.memref_slice %arg2[%add3A, %dma_start3A_263, %dma_start3A_274] : memref<32x84x120xi32, #tpu.memory_space<hbm>> -> memref<1x1x120xi32, #tpu.memory_space<hbm>>
    %dma_start3A_276 = tpu.memref_squeeze %dma_start3A_275 : memref<1x1x120xi32, #tpu.memory_space<hbm>> -> memref<120xi32, #tpu.memory_space<hbm>>
    tpu.enqueue_dma source(%dma_start3A_276 : memref<120xi32, #tpu.memory_space<hbm>>) target(%dma_start3A_273 : memref<120xi32, #tpu.memory_space<vmem>>) target_semaphore(%arg20 : memref<!tpu.dma_semaphore, #tpu.memory_space<semaphore_mem>>)
    %dma_start3A_277 = arith.constant 1 : i32
    %dma_start3A_278 = arith.constant 1 : i32
    %dma_start3A_279 = arith.constant 0 : i32
    %dma_start3A_280 = arith.constant 0 : i32
    %dma_start3A_281 = tpu.memref_slice %arg8[%dma_start3A_277, %dma_start3A_279, %dma_start3A_280] : memref<3x120x128xf32, #tpu.memory_space<vmem>> -> memref<1x120x128xf32, #tpu.memory_space<vmem>>
    %dma_start3A_282 = tpu.memref_squeeze %dma_start3A_281 : memref<1x120x128xf32, #tpu.memory_space<vmem>> -> memref<120x128xf32, #tpu.memory_space<vmem>>
    %dma_start3A_283 = arith.constant 0 : i32
    %dma_start3A_284 = tpu.memref_slice %arg7[%dma_start3A_278, %dma_start3A_283] : memref<3x120xi32, #tpu.memory_space<vmem>> -> memref<1x120xi32, #tpu.memory_space<vmem>>
    %dma_start3A_285 = tpu.memref_squeeze %dma_start3A_284 : memref<1x120xi32, #tpu.memory_space<vmem>> -> memref<120xi32, #tpu.memory_space<vmem>>
    %dma_start3A_286 = arith.constant 0 : i32
    %dma_start3A_287 = arith.constant 0 : i32
    %dma_start3A_288 = tpu.memref_slice %arg9[%dma_start3A_286, %dma_start3A_287] : memref<10112x128xf32, #tpu.memory_space<vmem_shared>> -> memref<10112x128xf32, #tpu.memory_space<vmem_shared>>
    tpu.enqueue_indirect_dma source(%dma_start3A_282 : memref<120x128xf32, #tpu.memory_space<vmem>>) target(%dma_start3A_288 : memref<10112x128xf32, #tpu.memory_space<vmem_shared>>) offsets(%dma_start3A_285 : memref<120xi32, #tpu.memory_space<vmem>>) semaphore(%arg17 : memref<!tpu.dma_semaphore, #tpu.memory_space<semaphore_mem>>) {add = true}
    %dma_wait3A_289 = arith.constant 0 : i32
    %dma_wait3A_290 = arith.constant 0 : i32
    %dma_wait3A_291 = arith.constant 0 : i32
    %dma_wait3A_292 = arith.constant 0 : i32
    %dma_wait3A_293 = tpu.memref_slice %arg8[%dma_wait3A_289, %dma_wait3A_291, %dma_wait3A_292] : memref<3x120x128xf32, #tpu.memory_space<vmem>> -> memref<1x120x128xf32, #tpu.memory_space<vmem>>
    %dma_wait3A_294 = tpu.memref_squeeze %dma_wait3A_293 : memref<1x120x128xf32, #tpu.memory_space<vmem>> -> memref<120x128xf32, #tpu.memory_space<vmem>>
    %dma_wait3A_295 = arith.constant 0 : i32
    %dma_wait3A_296 = tpu.memref_slice %arg7[%dma_wait3A_290, %dma_wait3A_295] : memref<3x120xi32, #tpu.memory_space<vmem>> -> memref<1x120xi32, #tpu.memory_space<vmem>>
    %dma_wait3A_297 = tpu.memref_squeeze %dma_wait3A_296 : memref<1x120xi32, #tpu.memory_space<vmem>> -> memref<120xi32, #tpu.memory_space<vmem>>
    %dma_wait3A_298 = arith.constant 0 : i32
    %dma_wait3A_299 = arith.constant 0 : i32
    %dma_wait3A_300 = tpu.memref_slice %arg9[%dma_wait3A_298, %dma_wait3A_299] : memref<10112x128xf32, #tpu.memory_space<vmem_shared>> -> memref<10112x128xf32, #tpu.memory_space<vmem_shared>>
    tpu.wait_indirect_dma semaphore(%arg16 : memref<!tpu.dma_semaphore, #tpu.memory_space<semaphore_mem>>) src(%dma_wait3A_294 : memref<120x128xf32, #tpu.memory_space<vmem>>) dst(%dma_wait3A_300 : memref<10112x128xf32, #tpu.memory_space<vmem_shared>>)
    %dma_wait3A_301 = arith.constant 0 : i32
    %dma_wait3A_302 = arith.constant 0 : i32
    %dma_wait3A_303 = arith.constant 0 : i32
    %dma_wait3A_304 = tpu.memref_slice %arg6[%dma_wait3A_302, %dma_wait3A_303] : memref<3x120xi32, #tpu.memory_space<vmem>> -> memref<1x120xi32, #tpu.memory_space<vmem>>
    %dma_wait3A_305 = tpu.memref_squeeze %dma_wait3A_304 : memref<1x120xi32, #tpu.memory_space<vmem>> -> memref<120xi32, #tpu.memory_space<vmem>>
    %dma_wait3A_306 = arith.constant 0 : i32
    %dma_wait3A_307 = tpu.memref_slice %arg2[%add3A, %dma_wait3A_301, %dma_wait3A_306] : memref<32x84x120xi32, #tpu.memory_space<hbm>> -> memref<1x1x120xi32, #tpu.memory_space<hbm>>
    %dma_wait3A_308 = tpu.memref_squeeze %dma_wait3A_307 : memref<1x1x120xi32, #tpu.memory_space<hbm>> -> memref<120xi32, #tpu.memory_space<hbm>>
    %dma_wait3A_309 = arith.constant 0 : i32
    %dma_wait3A_310 = tpu.memref_slice %arg6[%dma_wait3A_302, %dma_wait3A_309] : memref<3x120xi32, #tpu.memory_space<vmem>> -> memref<1x120xi32, #tpu.memory_space<vmem>>
    %dma_wait3A_311 = tpu.memref_squeeze %dma_wait3A_310 : memref<1x120xi32, #tpu.memory_space<vmem>> -> memref<120xi32, #tpu.memory_space<vmem>>
    %dma_wait3A_312 = arith.constant 0 : i32
    %dma_wait3A_313 = tpu.memref_slice %arg2[%add3A, %dma_wait3A_301, %dma_wait3A_312] : memref<32x84x120xi32, #tpu.memory_space<hbm>> -> memref<1x1x120xi32, #tpu.memory_space<hbm>>
    %dma_wait3A_314 = tpu.memref_squeeze %dma_wait3A_313 : memref<1x1x120xi32, #tpu.memory_space<hbm>> -> memref<120xi32, #tpu.memory_space<hbm>>
    tpu.wait_dma2 semaphore(%arg19 : memref<!tpu.dma_semaphore, #tpu.memory_space<semaphore_mem>>) src(%dma_wait3A_314 : memref<120xi32, #tpu.memory_space<hbm>>) dst(%dma_wait3A_311 : memref<120xi32, #tpu.memory_space<vmem>>)
    %dma_start3A_315 = arith.constant 0 : i32
    %dma_start3A_316 = arith.constant 0 : i32
    %dma_start3A_317 = arith.constant 0 : i32
    %dma_start3A_318 = arith.constant 0 : i32
    %dma_start3A_319 = tpu.memref_slice %arg8[%dma_start3A_316, %dma_start3A_317, %dma_start3A_318] : memref<3x120x128xf32, #tpu.memory_space<vmem>> -> memref<1x120x128xf32, #tpu.memory_space<vmem>>
    %dma_start3A_320 = tpu.memref_squeeze %dma_start3A_319 : memref<1x120x128xf32, #tpu.memory_space<vmem>> -> memref<120x128xf32, #tpu.memory_space<vmem>>
    %dma_start3A_321 = arith.constant 0 : i32
    %dma_start3A_322 = tpu.memref_slice %arg6[%dma_start3A_315, %dma_start3A_321] : memref<3x120xi32, #tpu.memory_space<vmem>> -> memref<1x120xi32, #tpu.memory_space<vmem>>
    %dma_start3A_323 = tpu.memref_squeeze %dma_start3A_322 : memref<1x120xi32, #tpu.memory_space<vmem>> -> memref<120xi32, #tpu.memory_space<vmem>>
    %dma_start3A_324 = arith.constant 0 : i32
    %dma_start3A_325 = arith.constant 0 : i32
    %dma_start3A_326 = tpu.memref_slice %arg4[%dma_start3A_324, %dma_start3A_325] : memref<10000x128xf32, #tpu.memory_space<hbm>> -> memref<10000x128xf32, #tpu.memory_space<hbm>>
    tpu.enqueue_indirect_dma source(%dma_start3A_326 : memref<10000x128xf32, #tpu.memory_space<hbm>>) target(%dma_start3A_320 : memref<120x128xf32, #tpu.memory_space<vmem>>) offsets(%dma_start3A_323 : memref<120xi32, #tpu.memory_space<vmem>>) semaphore(%arg10 : memref<!tpu.dma_semaphore, #tpu.memory_space<semaphore_mem>>)
    %dma_start3A_327 = arith.constant 3 : i32
    %dma_start3A_328 = arith.constant 0 : i32
    %dma_start3A_329 = arith.constant 0 : i32
    %dma_start3A_330 = tpu.memref_slice %arg7[%dma_start3A_328, %dma_start3A_329] : memref<3x120xi32, #tpu.memory_space<vmem>> -> memref<1x120xi32, #tpu.memory_space<vmem>>
    %dma_start3A_331 = tpu.memref_squeeze %dma_start3A_330 : memref<1x120xi32, #tpu.memory_space<vmem>> -> memref<120xi32, #tpu.memory_space<vmem>>
    %dma_start3A_332 = arith.constant 0 : i32
    %dma_start3A_333 = tpu.memref_slice %arg3[%add3A, %dma_start3A_327, %dma_start3A_332] : memref<32x84x120xi32, #tpu.memory_space<hbm>> -> memref<1x1x120xi32, #tpu.memory_space<hbm>>
    %dma_start3A_334 = tpu.memref_squeeze %dma_start3A_333 : memref<1x1x120xi32, #tpu.memory_space<hbm>> -> memref<120xi32, #tpu.memory_space<hbm>>
    %dma_start3A_335 = arith.constant 0 : i32
    %dma_start3A_336 = tpu.memref_slice %arg7[%dma_start3A_328, %dma_start3A_335] : memref<3x120xi32, #tpu.memory_space<vmem>> -> memref<1x120xi32, #tpu.memory_space<vmem>>
    %dma_start3A_337 = tpu.memref_squeeze %dma_start3A_336 : memref<1x120xi32, #tpu.memory_space<vmem>> -> memref<120xi32, #tpu.memory_space<vmem>>
    %dma_start3A_338 = arith.constant 0 : i32
    %dma_start3A_339 = tpu.memref_slice %arg3[%add3A, %dma_start3A_327, %dma_start3A_338] : memref<32x84x120xi32, #tpu.memory_space<hbm>> -> memref<1x1x120xi32, #tpu.memory_space<hbm>>
    %dma_start3A_340 = tpu.memref_squeeze %dma_start3A_339 : memref<1x1x120xi32, #tpu.memory_space<hbm>> -> memref<120xi32, #tpu.memory_space<hbm>>
    tpu.enqueue_dma source(%dma_start3A_340 : memref<120xi32, #tpu.memory_space<hbm>>) target(%dma_start3A_337 : memref<120xi32, #tpu.memory_space<vmem>>) target_semaphore(%arg13 : memref<!tpu.dma_semaphore, #tpu.memory_space<semaphore_mem>>)
    %dma_wait3A_341 = arith.constant 0 : i32
    %dma_wait3A_342 = arith.constant 2 : i32
    %dma_wait3A_343 = arith.constant 0 : i32
    %dma_wait3A_344 = arith.constant 0 : i32
    %dma_wait3A_345 = tpu.memref_slice %arg8[%dma_wait3A_342, %dma_wait3A_343, %dma_wait3A_344] : memref<3x120x128xf32, #tpu.memory_space<vmem>> -> memref<1x120x128xf32, #tpu.memory_space<vmem>>
    %dma_wait3A_346 = tpu.memref_squeeze %dma_wait3A_345 : memref<1x120x128xf32, #tpu.memory_space<vmem>> -> memref<120x128xf32, #tpu.memory_space<vmem>>
    %dma_wait3A_347 = arith.constant 0 : i32
    %dma_wait3A_348 = tpu.memref_slice %arg6[%dma_wait3A_341, %dma_wait3A_347] : memref<3x120xi32, #tpu.memory_space<vmem>> -> memref<1x120xi32, #tpu.memory_space<vmem>>
    %dma_wait3A_349 = tpu.memref_squeeze %dma_wait3A_348 : memref<1x120xi32, #tpu.memory_space<vmem>> -> memref<120xi32, #tpu.memory_space<vmem>>
    %dma_wait3A_350 = arith.constant 0 : i32
    %dma_wait3A_351 = arith.constant 0 : i32
    %dma_wait3A_352 = tpu.memref_slice %arg4[%dma_wait3A_350, %dma_wait3A_351] : memref<10000x128xf32, #tpu.memory_space<hbm>> -> memref<10000x128xf32, #tpu.memory_space<hbm>>
    tpu.wait_indirect_dma semaphore(%arg12 : memref<!tpu.dma_semaphore, #tpu.memory_space<semaphore_mem>>) src(%dma_wait3A_352 : memref<10000x128xf32, #tpu.memory_space<hbm>>) dst(%dma_wait3A_346 : memref<120x128xf32, #tpu.memory_space<vmem>>)
    %dma_wait3A_353 = arith.constant 0 : i32
    %dma_wait3A_354 = arith.constant 2 : i32
    %dma_wait3A_355 = arith.constant 0 : i32
    %dma_wait3A_356 = tpu.memref_slice %arg7[%dma_wait3A_354, %dma_wait3A_355] : memref<3x120xi32, #tpu.memory_space<vmem>> -> memref<1x120xi32, #tpu.memory_space<vmem>>
    %dma_wait3A_357 = tpu.memref_squeeze %dma_wait3A_356 : memref<1x120xi32, #tpu.memory_space<vmem>> -> memref<120xi32, #tpu.memory_space<vmem>>
    %dma_wait3A_358 = arith.constant 0 : i32
    %dma_wait3A_359 = tpu.memref_slice %arg3[%add3A, %dma_wait3A_353, %dma_wait3A_358] : memref<32x84x120xi32, #tpu.memory_space<hbm>> -> memref<1x1x120xi32, #tpu.memory_space<hbm>>
    %dma_wait3A_360 = tpu.memref_squeeze %dma_wait3A_359 : memref<1x1x120xi32, #tpu.memory_space<hbm>> -> memref<120xi32, #tpu.memory_space<hbm>>
    %dma_wait3A_361 = arith.constant 0 : i32
    %dma_wait3A_362 = tpu.memref_slice %arg7[%dma_wait3A_354, %dma_wait3A_361] : memref<3x120xi32, #tpu.memory_space<vmem>> -> memref<1x120xi32, #tpu.memory_space<vmem>>
    %dma_wait3A_363 = tpu.memref_squeeze %dma_wait3A_362 : memref<1x120xi32, #tpu.memory_space<vmem>> -> memref<120xi32, #tpu.memory_space<vmem>>
    %dma_wait3A_364 = arith.constant 0 : i32
    %dma_wait3A_365 = tpu.memref_slice %arg3[%add3A, %dma_wait3A_353, %dma_wait3A_364] : memref<32x84x120xi32, #tpu.memory_space<hbm>> -> memref<1x1x120xi32, #tpu.memory_space<hbm>>
    %dma_wait3A_366 = tpu.memref_squeeze %dma_wait3A_365 : memref<1x1x120xi32, #tpu.memory_space<hbm>> -> memref<120xi32, #tpu.memory_space<hbm>>
    tpu.wait_dma2 semaphore(%arg15 : memref<!tpu.dma_semaphore, #tpu.memory_space<semaphore_mem>>) src(%dma_wait3A_366 : memref<120xi32, #tpu.memory_space<hbm>>) dst(%dma_wait3A_363 : memref<120xi32, #tpu.memory_space<vmem>>)
    %dma_start3A_367 = arith.constant 5 : i32
    %dma_start3A_368 = arith.constant 2 : i32
    %dma_start3A_369 = arith.constant 0 : i32
    %dma_start3A_370 = tpu.memref_slice %arg6[%dma_start3A_368, %dma_start3A_369] : memref<3x120xi32, #tpu.memory_space<vmem>> -> memref<1x120xi32, #tpu.memory_space<vmem>>
    %dma_start3A_371 = tpu.memref_squeeze %dma_start3A_370 : memref<1x120xi32, #tpu.memory_space<vmem>> -> memref<120xi32, #tpu.memory_space<vmem>>
    %dma_start3A_372 = arith.constant 0 : i32
    %dma_start3A_373 = tpu.memref_slice %arg2[%add3A, %dma_start3A_367, %dma_start3A_372] : memref<32x84x120xi32, #tpu.memory_space<hbm>> -> memref<1x1x120xi32, #tpu.memory_space<hbm>>
    %dma_start3A_374 = tpu.memref_squeeze %dma_start3A_373 : memref<1x1x120xi32, #tpu.memory_space<hbm>> -> memref<120xi32, #tpu.memory_space<hbm>>
    %dma_start3A_375 = arith.constant 0 : i32
    %dma_start3A_376 = tpu.memref_slice %arg6[%dma_start3A_368, %dma_start3A_375] : memref<3x120xi32, #tpu.memory_space<vmem>> -> memref<1x120xi32, #tpu.memory_space<vmem>>
    %dma_start3A_377 = tpu.memref_squeeze %dma_start3A_376 : memref<1x120xi32, #tpu.memory_space<vmem>> -> memref<120xi32, #tpu.memory_space<vmem>>
    %dma_start3A_378 = arith.constant 0 : i32
    %dma_start3A_379 = tpu.memref_slice %arg2[%add3A, %dma_start3A_367, %dma_start3A_378] : memref<32x84x120xi32, #tpu.memory_space<hbm>> -> memref<1x1x120xi32, #tpu.memory_space<hbm>>
    %dma_start3A_380 = tpu.memref_squeeze %dma_start3A_379 : memref<1x1x120xi32, #tpu.memory_space<hbm>> -> memref<120xi32, #tpu.memory_space<hbm>>
    tpu.enqueue_dma source(%dma_start3A_380 : memref<120xi32, #tpu.memory_space<hbm>>) target(%dma_start3A_377 : memref<120xi32, #tpu.memory_space<vmem>>) target_semaphore(%arg21 : memref<!tpu.dma_semaphore, #tpu.memory_space<semaphore_mem>>)
    %dma_start3A_381 = arith.constant 2 : i32
    %dma_start3A_382 = arith.constant 2 : i32
    %dma_start3A_383 = arith.constant 0 : i32
    %dma_start3A_384 = arith.constant 0 : i32
    %dma_start3A_385 = tpu.memref_slice %arg8[%dma_start3A_381, %dma_start3A_383, %dma_start3A_384] : memref<3x120x128xf32, #tpu.memory_space<vmem>> -> memref<1x120x128xf32, #tpu.memory_space<vmem>>
    %dma_start3A_386 = tpu.memref_squeeze %dma_start3A_385 : memref<1x120x128xf32, #tpu.memory_space<vmem>> -> memref<120x128xf32, #tpu.memory_space<vmem>>
    %dma_start3A_387 = arith.constant 0 : i32
    %dma_start3A_388 = tpu.memref_slice %arg7[%dma_start3A_382, %dma_start3A_387] : memref<3x120xi32, #tpu.memory_space<vmem>> -> memref<1x120xi32, #tpu.memory_space<vmem>>
    %dma_start3A_389 = tpu.memref_squeeze %dma_start3A_388 : memref<1x120xi32, #tpu.memory_space<vmem>> -> memref<120xi32, #tpu.memory_space<vmem>>
    %dma_start3A_390 = arith.constant 0 : i32
    %dma_start3A_391 = arith.constant 0 : i32
    %dma_start3A_392 = tpu.memref_slice %arg9[%dma_start3A_390, %dma_start3A_391] : memref<10112x128xf32, #tpu.memory_space<vmem_shared>> -> memref<10112x128xf32, #tpu.memory_space<vmem_shared>>
    tpu.enqueue_indirect_dma source(%dma_start3A_386 : memref<120x128xf32, #tpu.memory_space<vmem>>) target(%dma_start3A_392 : memref<10112x128xf32, #tpu.memory_space<vmem_shared>>) offsets(%dma_start3A_389 : memref<120xi32, #tpu.memory_space<vmem>>) semaphore(%arg18 : memref<!tpu.dma_semaphore, #tpu.memory_space<semaphore_mem>>) {add = true}
    %dma_wait3A_393 = arith.constant 1 : i32
    %dma_wait3A_394 = arith.constant 0 : i32
    %dma_wait3A_395 = arith.constant 0 : i32
    %dma_wait3A_396 = arith.constant 0 : i32
    %dma_wait3A_397 = tpu.memref_slice %arg8[%dma_wait3A_393, %dma_wait3A_395, %dma_wait3A_396] : memref<3x120x128xf32, #tpu.memory_space<vmem>> -> memref<1x120x128xf32, #tpu.memory_space<vmem>>
    %dma_wait3A_398 = tpu.memref_squeeze %dma_wait3A_397 : memref<1x120x128xf32, #tpu.memory_space<vmem>> -> memref<120x128xf32, #tpu.memory_space<vmem>>
    %dma_wait3A_399 = arith.constant 0 : i32
    %dma_wait3A_400 = tpu.memref_slice %arg7[%dma_wait3A_394, %dma_wait3A_399] : memref<3x120xi32, #tpu.memory_space<vmem>> -> memref<1x120xi32, #tpu.memory_space<vmem>>
    %dma_wait3A_401 = tpu.memref_squeeze %dma_wait3A_400 : memref<1x120xi32, #tpu.memory_space<vmem>> -> memref<120xi32, #tpu.memory_space<vmem>>
    %dma_wait3A_402 = arith.constant 0 : i32
    %dma_wait3A_403 = arith.constant 0 : i32
    %dma_wait3A_404 = tpu.memref_slice %arg9[%dma_wait3A_402, %dma_wait3A_403] : memref<10112x128xf32, #tpu.memory_space<vmem_shared>> -> memref<10112x128xf32, #tpu.memory_space<vmem_shared>>
    tpu.wait_indirect_dma semaphore(%arg17 : memref<!tpu.dma_semaphore, #tpu.memory_space<semaphore_mem>>) src(%dma_wait3A_398 : memref<120x128xf32, #tpu.memory_space<vmem>>) dst(%dma_wait3A_404 : memref<10112x128xf32, #tpu.memory_space<vmem_shared>>)
    %dma_wait3A_405 = arith.constant 0 : i32
    %dma_wait3A_406 = arith.constant 1 : i32
    %dma_wait3A_407 = arith.constant 0 : i32
    %dma_wait3A_408 = tpu.memref_slice %arg6[%dma_wait3A_406, %dma_wait3A_407] : memref<3x120xi32, #tpu.memory_space<vmem>> -> memref<1x120xi32, #tpu.memory_space<vmem>>
    %dma_wait3A_409 = tpu.memref_squeeze %dma_wait3A_408 : memref<1x120xi32, #tpu.memory_space<vmem>> -> memref<120xi32, #tpu.memory_space<vmem>>
    %dma_wait3A_410 = arith.constant 0 : i32
    %dma_wait3A_411 = tpu.memref_slice %arg2[%add3A, %dma_wait3A_405, %dma_wait3A_410] : memref<32x84x120xi32, #tpu.memory_space<hbm>> -> memref<1x1x120xi32, #tpu.memory_space<hbm>>
    %dma_wait3A_412 = tpu.memref_squeeze %dma_wait3A_411 : memref<1x1x120xi32, #tpu.memory_space<hbm>> -> memref<120xi32, #tpu.memory_space<hbm>>
    %dma_wait3A_413 = arith.constant 0 : i32
    %dma_wait3A_414 = tpu.memref_slice %arg6[%dma_wait3A_406, %dma_wait3A_413] : memref<3x120xi32, #tpu.memory_space<vmem>> -> memref<1x120xi32, #tpu.memory_space<vmem>>
    %dma_wait3A_415 = tpu.memref_squeeze %dma_wait3A_414 : memref<1x120xi32, #tpu.memory_space<vmem>> -> memref<120xi32, #tpu.memory_space<vmem>>
    %dma_wait3A_416 = arith.constant 0 : i32
    %dma_wait3A_417 = tpu.memref_slice %arg2[%add3A, %dma_wait3A_405, %dma_wait3A_416] : memref<32x84x120xi32, #tpu.memory_space<hbm>> -> memref<1x1x120xi32, #tpu.memory_space<hbm>>
    %dma_wait3A_418 = tpu.memref_squeeze %dma_wait3A_417 : memref<1x1x120xi32, #tpu.memory_space<hbm>> -> memref<120xi32, #tpu.memory_space<hbm>>
    tpu.wait_dma2 semaphore(%arg20 : memref<!tpu.dma_semaphore, #tpu.memory_space<semaphore_mem>>) src(%dma_wait3A_418 : memref<120xi32, #tpu.memory_space<hbm>>) dst(%dma_wait3A_415 : memref<120xi32, #tpu.memory_space<vmem>>)
    %dma_start3A_419 = arith.constant 1 : i32
    %dma_start3A_420 = arith.constant 1 : i32
    %dma_start3A_421 = arith.constant 0 : i32
    %dma_start3A_422 = arith.constant 0 : i32
    %dma_start3A_423 = tpu.memref_slice %arg8[%dma_start3A_420, %dma_start3A_421, %dma_start3A_422] : memref<3x120x128xf32, #tpu.memory_space<vmem>> -> memref<1x120x128xf32, #tpu.memory_space<vmem>>
    %dma_start3A_424 = tpu.memref_squeeze %dma_start3A_423 : memref<1x120x128xf32, #tpu.memory_space<vmem>> -> memref<120x128xf32, #tpu.memory_space<vmem>>
    %dma_start3A_425 = arith.constant 0 : i32
    %dma_start3A_426 = tpu.memref_slice %arg6[%dma_start3A_419, %dma_start3A_425] : memref<3x120xi32, #tpu.memory_space<vmem>> -> memref<1x120xi32, #tpu.memory_space<vmem>>
    %dma_start3A_427 = tpu.memref_squeeze %dma_start3A_426 : memref<1x120xi32, #tpu.memory_space<vmem>> -> memref<120xi32, #tpu.memory_space<vmem>>
    %dma_start3A_428 = arith.constant 0 : i32
    %dma_start3A_429 = arith.constant 0 : i32
    %dma_start3A_430 = tpu.memref_slice %arg4[%dma_start3A_428, %dma_start3A_429] : memref<10000x128xf32, #tpu.memory_space<hbm>> -> memref<10000x128xf32, #tpu.memory_space<hbm>>
    tpu.enqueue_indirect_dma source(%dma_start3A_430 : memref<10000x128xf32, #tpu.memory_space<hbm>>) target(%dma_start3A_424 : memref<120x128xf32, #tpu.memory_space<vmem>>) offsets(%dma_start3A_427 : memref<120xi32, #tpu.memory_space<vmem>>) semaphore(%arg11 : memref<!tpu.dma_semaphore, #tpu.memory_space<semaphore_mem>>)
    %dma_start3A_431 = arith.constant 4 : i32
    %dma_start3A_432 = arith.constant 1 : i32
    %dma_start3A_433 = arith.constant 0 : i32
    %dma_start3A_434 = tpu.memref_slice %arg7[%dma_start3A_432, %dma_start3A_433] : memref<3x120xi32, #tpu.memory_space<vmem>> -> memref<1x120xi32, #tpu.memory_space<vmem>>
    %dma_start3A_435 = tpu.memref_squeeze %dma_start3A_434 : memref<1x120xi32, #tpu.memory_space<vmem>> -> memref<120xi32, #tpu.memory_space<vmem>>
    %dma_start3A_436 = arith.constant 0 : i32
    %dma_start3A_437 = tpu.memref_slice %arg3[%add3A, %dma_start3A_431, %dma_start3A_436] : memref<32x84x120xi32, #tpu.memory_space<hbm>> -> memref<1x1x120xi32, #tpu.memory_space<hbm>>
    %dma_start3A_438 = tpu.memref_squeeze %dma_start3A_437 : memref<1x1x120xi32, #tpu.memory_space<hbm>> -> memref<120xi32, #tpu.memory_space<hbm>>
    %dma_start3A_439 = arith.constant 0 : i32
    %dma_start3A_440 = tpu.memref_slice %arg7[%dma_start3A_432, %dma_start3A_439] : memref<3x120xi32, #tpu.memory_space<vmem>> -> memref<1x120xi32, #tpu.memory_space<vmem>>
    %dma_start3A_441 = tpu.memref_squeeze %dma_start3A_440 : memref<1x120xi32, #tpu.memory_space<vmem>> -> memref<120xi32, #tpu.memory_space<vmem>>
    %dma_start3A_442 = arith.constant 0 : i32
    %dma_start3A_443 = tpu.memref_slice %arg3[%add3A, %dma_start3A_431, %dma_start3A_442] : memref<32x84x120xi32, #tpu.memory_space<hbm>> -> memref<1x1x120xi32, #tpu.memory_space<hbm>>
    %dma_start3A_444 = tpu.memref_squeeze %dma_start3A_443 : memref<1x1x120xi32, #tpu.memory_space<hbm>> -> memref<120xi32, #tpu.memory_space<hbm>>
    tpu.enqueue_dma source(%dma_start3A_444 : memref<120xi32, #tpu.memory_space<hbm>>) target(%dma_start3A_441 : memref<120xi32, #tpu.memory_space<vmem>>) target_semaphore(%arg14 : memref<!tpu.dma_semaphore, #tpu.memory_space<semaphore_mem>>)
    %scan3A_445 = arith.constant 0 : i32
    %scan3A_446 = arith.constant 27 : i32
    %scan3A_447 = arith.addi %scan3A_445, %scan3A_446 : i32
    %scan3A_448 = arith.constant 1 : i32
    scf.for %scan3A_463 = %scan3A_445 to %scan3A_447 step %scan3A_448  : i32 {
      %mul3A_464 = arith.constant 3 : i32
      %mul3A_465 = arith.muli %scan3A_463, %mul3A_464 : i32
      %add3A_466 = arith.constant 3 : i32
      %add3A_467 = arith.addi %add3A_466, %mul3A_465 : i32
      %add3A_468 = arith.constant 0 : i32
      %add3A_469 = arith.addi %add3A_467, %add3A_468 : i32
      %dma_wait3A_470 = arith.constant 0 : i32
      %dma_wait3A_471 = arith.constant 0 : i32
      %dma_wait3A_472 = arith.constant 0 : i32
      %dma_wait3A_473 = arith.constant 0 : i32
      %dma_wait3A_474 = tpu.memref_slice %arg8[%dma_wait3A_471, %dma_wait3A_472, %dma_wait3A_473] : memref<3x120x128xf32, #tpu.memory_space<vmem>> -> memref<1x120x128xf32, #tpu.memory_space<vmem>>
      %dma_wait3A_475 = tpu.memref_squeeze %dma_wait3A_474 : memref<1x120x128xf32, #tpu.memory_space<vmem>> -> memref<120x128xf32, #tpu.memory_space<vmem>>
      %dma_wait3A_476 = arith.constant 0 : i32
      %dma_wait3A_477 = tpu.memref_slice %arg6[%dma_wait3A_470, %dma_wait3A_476] : memref<3x120xi32, #tpu.memory_space<vmem>> -> memref<1x120xi32, #tpu.memory_space<vmem>>
      %dma_wait3A_478 = tpu.memref_squeeze %dma_wait3A_477 : memref<1x120xi32, #tpu.memory_space<vmem>> -> memref<120xi32, #tpu.memory_space<vmem>>
      %dma_wait3A_479 = arith.constant 0 : i32
      %dma_wait3A_480 = arith.constant 0 : i32
      %dma_wait3A_481 = tpu.memref_slice %arg4[%dma_wait3A_479, %dma_wait3A_480] : memref<10000x128xf32, #tpu.memory_space<hbm>> -> memref<10000x128xf32, #tpu.memory_space<hbm>>
      tpu.wait_indirect_dma semaphore(%arg10 : memref<!tpu.dma_semaphore, #tpu.memory_space<semaphore_mem>>) src(%dma_wait3A_481 : memref<10000x128xf32, #tpu.memory_space<hbm>>) dst(%dma_wait3A_475 : memref<120x128xf32, #tpu.memory_space<vmem>>)
      %dma_wait3A_482 = arith.constant 0 : i32
      %dma_wait3A_483 = arith.constant 0 : i32
      %dma_wait3A_484 = arith.constant 0 : i32
      %dma_wait3A_485 = tpu.memref_slice %arg7[%dma_wait3A_483, %dma_wait3A_484] : memref<3x120xi32, #tpu.memory_space<vmem>> -> memref<1x120xi32, #tpu.memory_space<vmem>>
      %dma_wait3A_486 = tpu.memref_squeeze %dma_wait3A_485 : memref<1x120xi32, #tpu.memory_space<vmem>> -> memref<120xi32, #tpu.memory_space<vmem>>
      %dma_wait3A_487 = arith.constant 0 : i32
      %dma_wait3A_488 = tpu.memref_slice %arg3[%add3A, %dma_wait3A_482, %dma_wait3A_487] : memref<32x84x120xi32, #tpu.memory_space<hbm>> -> memref<1x1x120xi32, #tpu.memory_space<hbm>>
      %dma_wait3A_489 = tpu.memref_squeeze %dma_wait3A_488 : memref<1x1x120xi32, #tpu.memory_space<hbm>> -> memref<120xi32, #tpu.memory_space<hbm>>
      %dma_wait3A_490 = arith.constant 0 : i32
      %dma_wait3A_491 = tpu.memref_slice %arg7[%dma_wait3A_483, %dma_wait3A_490] : memref<3x120xi32, #tpu.memory_space<vmem>> -> memref<1x120xi32, #tpu.memory_space<vmem>>
      %dma_wait3A_492 = tpu.memref_squeeze %dma_wait3A_491 : memref<1x120xi32, #tpu.memory_space<vmem>> -> memref<120xi32, #tpu.memory_space<vmem>>
      %dma_wait3A_493 = arith.constant 0 : i32
      %dma_wait3A_494 = tpu.memref_slice %arg3[%add3A, %dma_wait3A_482, %dma_wait3A_493] : memref<32x84x120xi32, #tpu.memory_space<hbm>> -> memref<1x1x120xi32, #tpu.memory_space<hbm>>
      %dma_wait3A_495 = tpu.memref_squeeze %dma_wait3A_494 : memref<1x1x120xi32, #tpu.memory_space<hbm>> -> memref<120xi32, #tpu.memory_space<hbm>>
      tpu.wait_dma2 semaphore(%arg13 : memref<!tpu.dma_semaphore, #tpu.memory_space<semaphore_mem>>) src(%dma_wait3A_495 : memref<120xi32, #tpu.memory_space<hbm>>) dst(%dma_wait3A_492 : memref<120xi32, #tpu.memory_space<vmem>>)
      %add3A_496 = arith.constant 3 : i32
      %add3A_497 = arith.addi %add3A_469, %add3A_496 : i32
      %lt3A = arith.constant 84 : i32
      %lt3A_498 = arith.cmpi slt, %add3A_497, %lt3A : i32
      %convert_element_type3A = arith.extui %lt3A_498 : i1 to i32
      %cond3A = arith.constant 0 : i32
      %cond3A_499 = arith.cmpi ne, %convert_element_type3A, %cond3A : i32
      scf.if %cond3A_499 {
        %dma_start3A_668 = arith.constant 0 : i32
        %dma_start3A_669 = arith.constant 0 : i32
        %dma_start3A_670 = tpu.memref_slice %arg6[%dma_start3A_668, %dma_start3A_669] : memref<3x120xi32, #tpu.memory_space<vmem>> -> memref<1x120xi32, #tpu.memory_space<vmem>>
        %dma_start3A_671 = tpu.memref_squeeze %dma_start3A_670 : memref<1x120xi32, #tpu.memory_space<vmem>> -> memref<120xi32, #tpu.memory_space<vmem>>
        %dma_start3A_672 = arith.constant 0 : i32
        %dma_start3A_673 = tpu.memref_slice %arg2[%add3A, %add3A_497, %dma_start3A_672] : memref<32x84x120xi32, #tpu.memory_space<hbm>> -> memref<1x1x120xi32, #tpu.memory_space<hbm>>
        %dma_start3A_674 = tpu.memref_squeeze %dma_start3A_673 : memref<1x1x120xi32, #tpu.memory_space<hbm>> -> memref<120xi32, #tpu.memory_space<hbm>>
        %dma_start3A_675 = arith.constant 0 : i32
        %dma_start3A_676 = tpu.memref_slice %arg6[%dma_start3A_668, %dma_start3A_675] : memref<3x120xi32, #tpu.memory_space<vmem>> -> memref<1x120xi32, #tpu.memory_space<vmem>>
        %dma_start3A_677 = tpu.memref_squeeze %dma_start3A_676 : memref<1x120xi32, #tpu.memory_space<vmem>> -> memref<120xi32, #tpu.memory_space<vmem>>
        %dma_start3A_678 = arith.constant 0 : i32
        %dma_start3A_679 = tpu.memref_slice %arg2[%add3A, %add3A_497, %dma_start3A_678] : memref<32x84x120xi32, #tpu.memory_space<hbm>> -> memref<1x1x120xi32, #tpu.memory_space<hbm>>
        %dma_start3A_680 = tpu.memref_squeeze %dma_start3A_679 : memref<1x1x120xi32, #tpu.memory_space<hbm>> -> memref<120xi32, #tpu.memory_space<hbm>>
        tpu.enqueue_dma source(%dma_start3A_680 : memref<120xi32, #tpu.memory_space<hbm>>) target(%dma_start3A_677 : memref<120xi32, #tpu.memory_space<vmem>>) target_semaphore(%arg19 : memref<!tpu.dma_semaphore, #tpu.memory_space<semaphore_mem>>)
      } else {
      }
      %dma_start3A_500 = arith.constant 0 : i32
      %dma_start3A_501 = arith.constant 0 : i32
      %dma_start3A_502 = arith.constant 0 : i32
      %dma_start3A_503 = arith.constant 0 : i32
      %dma_start3A_504 = tpu.memref_slice %arg8[%dma_start3A_500, %dma_start3A_502, %dma_start3A_503] : memref<3x120x128xf32, #tpu.memory_space<vmem>> -> memref<1x120x128xf32, #tpu.memory_space<vmem>>
      %dma_start3A_505 = tpu.memref_squeeze %dma_start3A_504 : memref<1x120x128xf32, #tpu.memory_space<vmem>> -> memref<120x128xf32, #tpu.memory_space<vmem>>
      %dma_start3A_506 = arith.constant 0 : i32
      %dma_start3A_507 = tpu.memref_slice %arg7[%dma_start3A_501, %dma_start3A_506] : memref<3x120xi32, #tpu.memory_space<vmem>> -> memref<1x120xi32, #tpu.memory_space<vmem>>
      %dma_start3A_508 = tpu.memref_squeeze %dma_start3A_507 : memref<1x120xi32, #tpu.memory_space<vmem>> -> memref<120xi32, #tpu.memory_space<vmem>>
      %dma_start3A_509 = arith.constant 0 : i32
      %dma_start3A_510 = arith.constant 0 : i32
      %dma_start3A_511 = tpu.memref_slice %arg9[%dma_start3A_509, %dma_start3A_510] : memref<10112x128xf32, #tpu.memory_space<vmem_shared>> -> memref<10112x128xf32, #tpu.memory_space<vmem_shared>>
      tpu.enqueue_indirect_dma source(%dma_start3A_505 : memref<120x128xf32, #tpu.memory_space<vmem>>) target(%dma_start3A_511 : memref<10112x128xf32, #tpu.memory_space<vmem_shared>>) offsets(%dma_start3A_508 : memref<120xi32, #tpu.memory_space<vmem>>) semaphore(%arg16 : memref<!tpu.dma_semaphore, #tpu.memory_space<semaphore_mem>>) {add = true}
      %dma_wait3A_512 = arith.constant 2 : i32
      %dma_wait3A_513 = arith.constant 0 : i32
      %dma_wait3A_514 = arith.constant 0 : i32
      %dma_wait3A_515 = arith.constant 0 : i32
      %dma_wait3A_516 = tpu.memref_slice %arg8[%dma_wait3A_512, %dma_wait3A_514, %dma_wait3A_515] : memref<3x120x128xf32, #tpu.memory_space<vmem>> -> memref<1x120x128xf32, #tpu.memory_space<vmem>>
      %dma_wait3A_517 = tpu.memref_squeeze %dma_wait3A_516 : memref<1x120x128xf32, #tpu.memory_space<vmem>> -> memref<120x128xf32, #tpu.memory_space<vmem>>
      %dma_wait3A_518 = arith.constant 0 : i32
      %dma_wait3A_519 = tpu.memref_slice %arg7[%dma_wait3A_513, %dma_wait3A_518] : memref<3x120xi32, #tpu.memory_space<vmem>> -> memref<1x120xi32, #tpu.memory_space<vmem>>
      %dma_wait3A_520 = tpu.memref_squeeze %dma_wait3A_519 : memref<1x120xi32, #tpu.memory_space<vmem>> -> memref<120xi32, #tpu.memory_space<vmem>>
      %dma_wait3A_521 = arith.constant 0 : i32
      %dma_wait3A_522 = arith.constant 0 : i32
      %dma_wait3A_523 = tpu.memref_slice %arg9[%dma_wait3A_521, %dma_wait3A_522] : memref<10112x128xf32, #tpu.memory_space<vmem_shared>> -> memref<10112x128xf32, #tpu.memory_space<vmem_shared>>
      tpu.wait_indirect_dma semaphore(%arg18 : memref<!tpu.dma_semaphore, #tpu.memory_space<semaphore_mem>>) src(%dma_wait3A_517 : memref<120x128xf32, #tpu.memory_space<vmem>>) dst(%dma_wait3A_523 : memref<10112x128xf32, #tpu.memory_space<vmem_shared>>)
      %add3A_524 = arith.constant 3 : i32
      %add3A_525 = arith.addi %add3A_469, %add3A_524 : i32
      %sub3A = arith.constant 1 : i32
      %sub3A_526 = arith.subi %add3A_525, %sub3A : i32
      %lt3A_527 = arith.constant 84 : i32
      %lt3A_528 = arith.cmpi slt, %sub3A_526, %lt3A_527 : i32
      %convert_element_type3A_529 = arith.extui %lt3A_528 : i1 to i32
      %cond3A_530 = arith.constant 0 : i32
      %cond3A_531 = arith.cmpi ne, %convert_element_type3A_529, %cond3A_530 : i32
      scf.if %cond3A_531 {
        %dma_wait3A_668 = arith.constant 0 : i32
        %dma_wait3A_669 = arith.constant 2 : i32
        %dma_wait3A_670 = arith.constant 0 : i32
        %dma_wait3A_671 = tpu.memref_slice %arg6[%dma_wait3A_669, %dma_wait3A_670] : memref<3x120xi32, #tpu.memory_space<vmem>> -> memref<1x120xi32, #tpu.memory_space<vmem>>
        %dma_wait3A_672 = tpu.memref_squeeze %dma_wait3A_671 : memref<1x120xi32, #tpu.memory_space<vmem>> -> memref<120xi32, #tpu.memory_space<vmem>>
        %dma_wait3A_673 = arith.constant 0 : i32
        %dma_wait3A_674 = tpu.memref_slice %arg2[%add3A, %dma_wait3A_668, %dma_wait3A_673] : memref<32x84x120xi32, #tpu.memory_space<hbm>> -> memref<1x1x120xi32, #tpu.memory_space<hbm>>
        %dma_wait3A_675 = tpu.memref_squeeze %dma_wait3A_674 : memref<1x1x120xi32, #tpu.memory_space<hbm>> -> memref<120xi32, #tpu.memory_space<hbm>>
        %dma_wait3A_676 = arith.constant 0 : i32
        %dma_wait3A_677 = tpu.memref_slice %arg6[%dma_wait3A_669, %dma_wait3A_676] : memref<3x120xi32, #tpu.memory_space<vmem>> -> memref<1x120xi32, #tpu.memory_space<vmem>>
        %dma_wait3A_678 = tpu.memref_squeeze %dma_wait3A_677 : memref<1x120xi32, #tpu.memory_space<vmem>> -> memref<120xi32, #tpu.memory_space<vmem>>
        %dma_wait3A_679 = arith.constant 0 : i32
        %dma_wait3A_680 = tpu.memref_slice %arg2[%add3A, %dma_wait3A_668, %dma_wait3A_679] : memref<32x84x120xi32, #tpu.memory_space<hbm>> -> memref<1x1x120xi32, #tpu.memory_space<hbm>>
        %dma_wait3A_681 = tpu.memref_squeeze %dma_wait3A_680 : memref<1x1x120xi32, #tpu.memory_space<hbm>> -> memref<120xi32, #tpu.memory_space<hbm>>
        tpu.wait_dma2 semaphore(%arg21 : memref<!tpu.dma_semaphore, #tpu.memory_space<semaphore_mem>>) src(%dma_wait3A_681 : memref<120xi32, #tpu.memory_space<hbm>>) dst(%dma_wait3A_678 : memref<120xi32, #tpu.memory_space<vmem>>)
        %dma_start3A_682 = arith.constant 2 : i32
        %dma_start3A_683 = arith.constant 2 : i32
        %dma_start3A_684 = arith.constant 0 : i32
        %dma_start3A_685 = arith.constant 0 : i32
        %dma_start3A_686 = tpu.memref_slice %arg8[%dma_start3A_683, %dma_start3A_684, %dma_start3A_685] : memref<3x120x128xf32, #tpu.memory_space<vmem>> -> memref<1x120x128xf32, #tpu.memory_space<vmem>>
        %dma_start3A_687 = tpu.memref_squeeze %dma_start3A_686 : memref<1x120x128xf32, #tpu.memory_space<vmem>> -> memref<120x128xf32, #tpu.memory_space<vmem>>
        %dma_start3A_688 = arith.constant 0 : i32
        %dma_start3A_689 = tpu.memref_slice %arg6[%dma_start3A_682, %dma_start3A_688] : memref<3x120xi32, #tpu.memory_space<vmem>> -> memref<1x120xi32, #tpu.memory_space<vmem>>
        %dma_start3A_690 = tpu.memref_squeeze %dma_start3A_689 : memref<1x120xi32, #tpu.memory_space<vmem>> -> memref<120xi32, #tpu.memory_space<vmem>>
        %dma_start3A_691 = arith.constant 0 : i32
        %dma_start3A_692 = arith.constant 0 : i32
        %dma_start3A_693 = tpu.memref_slice %arg4[%dma_start3A_691, %dma_start3A_692] : memref<10000x128xf32, #tpu.memory_space<hbm>> -> memref<10000x128xf32, #tpu.memory_space<hbm>>
        tpu.enqueue_indirect_dma source(%dma_start3A_693 : memref<10000x128xf32, #tpu.memory_space<hbm>>) target(%dma_start3A_687 : memref<120x128xf32, #tpu.memory_space<vmem>>) offsets(%dma_start3A_690 : memref<120xi32, #tpu.memory_space<vmem>>) semaphore(%arg12 : memref<!tpu.dma_semaphore, #tpu.memory_space<semaphore_mem>>)
        %dma_start3A_694 = arith.constant 2 : i32
        %dma_start3A_695 = arith.constant 0 : i32
        %dma_start3A_696 = tpu.memref_slice %arg7[%dma_start3A_694, %dma_start3A_695] : memref<3x120xi32, #tpu.memory_space<vmem>> -> memref<1x120xi32, #tpu.memory_space<vmem>>
        %dma_start3A_697 = tpu.memref_squeeze %dma_start3A_696 : memref<1x120xi32, #tpu.memory_space<vmem>> -> memref<120xi32, #tpu.memory_space<vmem>>
        %dma_start3A_698 = arith.constant 0 : i32
        %dma_start3A_699 = tpu.memref_slice %arg3[%add3A, %sub3A_526, %dma_start3A_698] : memref<32x84x120xi32, #tpu.memory_space<hbm>> -> memref<1x1x120xi32, #tpu.memory_space<hbm>>
        %dma_start3A_700 = tpu.memref_squeeze %dma_start3A_699 : memref<1x1x120xi32, #tpu.memory_space<hbm>> -> memref<120xi32, #tpu.memory_space<hbm>>
        %dma_start3A_701 = arith.constant 0 : i32
        %dma_start3A_702 = tpu.memref_slice %arg7[%dma_start3A_694, %dma_start3A_701] : memref<3x120xi32, #tpu.memory_space<vmem>> -> memref<1x120xi32, #tpu.memory_space<vmem>>
        %dma_start3A_703 = tpu.memref_squeeze %dma_start3A_702 : memref<1x120xi32, #tpu.memory_space<vmem>> -> memref<120xi32, #tpu.memory_space<vmem>>
        %dma_start3A_704 = arith.constant 0 : i32
        %dma_start3A_705 = tpu.memref_slice %arg3[%add3A, %sub3A_526, %dma_start3A_704] : memref<32x84x120xi32, #tpu.memory_space<hbm>> -> memref<1x1x120xi32, #tpu.memory_space<hbm>>
        %dma_start3A_706 = tpu.memref_squeeze %dma_start3A_705 : memref<1x1x120xi32, #tpu.memory_space<hbm>> -> memref<120xi32, #tpu.memory_space<hbm>>
        tpu.enqueue_dma source(%dma_start3A_706 : memref<120xi32, #tpu.memory_space<hbm>>) target(%dma_start3A_703 : memref<120xi32, #tpu.memory_space<vmem>>) target_semaphore(%arg15 : memref<!tpu.dma_semaphore, #tpu.memory_space<semaphore_mem>>)
      } else {
      }
      %add3A_532 = arith.constant 1 : i32
      %add3A_533 = arith.addi %add3A_467, %add3A_532 : i32
      %dma_wait3A_534 = arith.constant 0 : i32
      %dma_wait3A_535 = arith.constant 1 : i32
      %dma_wait3A_536 = arith.constant 0 : i32
      %dma_wait3A_537 = arith.constant 0 : i32
      %dma_wait3A_538 = tpu.memref_slice %arg8[%dma_wait3A_535, %dma_wait3A_536, %dma_wait3A_537] : memref<3x120x128xf32, #tpu.memory_space<vmem>> -> memref<1x120x128xf32, #tpu.memory_space<vmem>>
      %dma_wait3A_539 = tpu.memref_squeeze %dma_wait3A_538 : memref<1x120x128xf32, #tpu.memory_space<vmem>> -> memref<120x128xf32, #tpu.memory_space<vmem>>
      %dma_wait3A_540 = arith.constant 0 : i32
      %dma_wait3A_541 = tpu.memref_slice %arg6[%dma_wait3A_534, %dma_wait3A_540] : memref<3x120xi32, #tpu.memory_space<vmem>> -> memref<1x120xi32, #tpu.memory_space<vmem>>
      %dma_wait3A_542 = tpu.memref_squeeze %dma_wait3A_541 : memref<1x120xi32, #tpu.memory_space<vmem>> -> memref<120xi32, #tpu.memory_space<vmem>>
      %dma_wait3A_543 = arith.constant 0 : i32
      %dma_wait3A_544 = arith.constant 0 : i32
      %dma_wait3A_545 = tpu.memref_slice %arg4[%dma_wait3A_543, %dma_wait3A_544] : memref<10000x128xf32, #tpu.memory_space<hbm>> -> memref<10000x128xf32, #tpu.memory_space<hbm>>
      tpu.wait_indirect_dma semaphore(%arg11 : memref<!tpu.dma_semaphore, #tpu.memory_space<semaphore_mem>>) src(%dma_wait3A_545 : memref<10000x128xf32, #tpu.memory_space<hbm>>) dst(%dma_wait3A_539 : memref<120x128xf32, #tpu.memory_space<vmem>>)
      %dma_wait3A_546 = arith.constant 0 : i32
      %dma_wait3A_547 = arith.constant 1 : i32
      %dma_wait3A_548 = arith.constant 0 : i32
      %dma_wait3A_549 = tpu.memref_slice %arg7[%dma_wait3A_547, %dma_wait3A_548] : memref<3x120xi32, #tpu.memory_space<vmem>> -> memref<1x120xi32, #tpu.memory_space<vmem>>
      %dma_wait3A_550 = tpu.memref_squeeze %dma_wait3A_549 : memref<1x120xi32, #tpu.memory_space<vmem>> -> memref<120xi32, #tpu.memory_space<vmem>>
      %dma_wait3A_551 = arith.constant 0 : i32
      %dma_wait3A_552 = tpu.memref_slice %arg3[%add3A, %dma_wait3A_546, %dma_wait3A_551] : memref<32x84x120xi32, #tpu.memory_space<hbm>> -> memref<1x1x120xi32, #tpu.memory_space<hbm>>
      %dma_wait3A_553 = tpu.memref_squeeze %dma_wait3A_552 : memref<1x1x120xi32, #tpu.memory_space<hbm>> -> memref<120xi32, #tpu.memory_space<hbm>>
      %dma_wait3A_554 = arith.constant 0 : i32
      %dma_wait3A_555 = tpu.memref_slice %arg7[%dma_wait3A_547, %dma_wait3A_554] : memref<3x120xi32, #tpu.memory_space<vmem>> -> memref<1x120xi32, #tpu.memory_space<vmem>>
      %dma_wait3A_556 = tpu.memref_squeeze %dma_wait3A_555 : memref<1x120xi32, #tpu.memory_space<vmem>> -> memref<120xi32, #tpu.memory_space<vmem>>
      %dma_wait3A_557 = arith.constant 0 : i32
      %dma_wait3A_558 = tpu.memref_slice %arg3[%add3A, %dma_wait3A_546, %dma_wait3A_557] : memref<32x84x120xi32, #tpu.memory_space<hbm>> -> memref<1x1x120xi32, #tpu.memory_space<hbm>>
      %dma_wait3A_559 = tpu.memref_squeeze %dma_wait3A_558 : memref<1x1x120xi32, #tpu.memory_space<hbm>> -> memref<120xi32, #tpu.memory_space<hbm>>
      tpu.wait_dma2 semaphore(%arg14 : memref<!tpu.dma_semaphore, #tpu.memory_space<semaphore_mem>>) src(%dma_wait3A_559 : memref<120xi32, #tpu.memory_space<hbm>>) dst(%dma_wait3A_556 : memref<120xi32, #tpu.memory_space<vmem>>)
      %add3A_560 = arith.constant 3 : i32
      %add3A_561 = arith.addi %add3A_533, %add3A_560 : i32
      %lt3A_562 = arith.constant 84 : i32
      %lt3A_563 = arith.cmpi slt, %add3A_561, %lt3A_562 : i32
      %convert_element_type3A_564 = arith.extui %lt3A_563 : i1 to i32
      %cond3A_565 = arith.constant 0 : i32
      %cond3A_566 = arith.cmpi ne, %convert_element_type3A_564, %cond3A_565 : i32
      scf.if %cond3A_566 {
        %dma_start3A_668 = arith.constant 1 : i32
        %dma_start3A_669 = arith.constant 0 : i32
        %dma_start3A_670 = tpu.memref_slice %arg6[%dma_start3A_668, %dma_start3A_669] : memref<3x120xi32, #tpu.memory_space<vmem>> -> memref<1x120xi32, #tpu.memory_space<vmem>>
        %dma_start3A_671 = tpu.memref_squeeze %dma_start3A_670 : memref<1x120xi32, #tpu.memory_space<vmem>> -> memref<120xi32, #tpu.memory_space<vmem>>
        %dma_start3A_672 = arith.constant 0 : i32
        %dma_start3A_673 = tpu.memref_slice %arg2[%add3A, %add3A_561, %dma_start3A_672] : memref<32x84x120xi32, #tpu.memory_space<hbm>> -> memref<1x1x120xi32, #tpu.memory_space<hbm>>
        %dma_start3A_674 = tpu.memref_squeeze %dma_start3A_673 : memref<1x1x120xi32, #tpu.memory_space<hbm>> -> memref<120xi32, #tpu.memory_space<hbm>>
        %dma_start3A_675 = arith.constant 0 : i32
        %dma_start3A_676 = tpu.memref_slice %arg6[%dma_start3A_668, %dma_start3A_675] : memref<3x120xi32, #tpu.memory_space<vmem>> -> memref<1x120xi32, #tpu.memory_space<vmem>>
        %dma_start3A_677 = tpu.memref_squeeze %dma_start3A_676 : memref<1x120xi32, #tpu.memory_space<vmem>> -> memref<120xi32, #tpu.memory_space<vmem>>
        %dma_start3A_678 = arith.constant 0 : i32
        %dma_start3A_679 = tpu.memref_slice %arg2[%add3A, %add3A_561, %dma_start3A_678] : memref<32x84x120xi32, #tpu.memory_space<hbm>> -> memref<1x1x120xi32, #tpu.memory_space<hbm>>
        %dma_start3A_680 = tpu.memref_squeeze %dma_start3A_679 : memref<1x1x120xi32, #tpu.memory_space<hbm>> -> memref<120xi32, #tpu.memory_space<hbm>>
        tpu.enqueue_dma source(%dma_start3A_680 : memref<120xi32, #tpu.memory_space<hbm>>) target(%dma_start3A_677 : memref<120xi32, #tpu.memory_space<vmem>>) target_semaphore(%arg20 : memref<!tpu.dma_semaphore, #tpu.memory_space<semaphore_mem>>)
      } else {
      }
      %dma_start3A_567 = arith.constant 1 : i32
      %dma_start3A_568 = arith.constant 1 : i32
      %dma_start3A_569 = arith.constant 0 : i32
      %dma_start3A_570 = arith.constant 0 : i32
      %dma_start3A_571 = tpu.memref_slice %arg8[%dma_start3A_567, %dma_start3A_569, %dma_start3A_570] : memref<3x120x128xf32, #tpu.memory_space<vmem>> -> memref<1x120x128xf32, #tpu.memory_space<vmem>>
      %dma_start3A_572 = tpu.memref_squeeze %dma_start3A_571 : memref<1x120x128xf32, #tpu.memory_space<vmem>> -> memref<120x128xf32, #tpu.memory_space<vmem>>
      %dma_start3A_573 = arith.constant 0 : i32
      %dma_start3A_574 = tpu.memref_slice %arg7[%dma_start3A_568, %dma_start3A_573] : memref<3x120xi32, #tpu.memory_space<vmem>> -> memref<1x120xi32, #tpu.memory_space<vmem>>
      %dma_start3A_575 = tpu.memref_squeeze %dma_start3A_574 : memref<1x120xi32, #tpu.memory_space<vmem>> -> memref<120xi32, #tpu.memory_space<vmem>>
      %dma_start3A_576 = arith.constant 0 : i32
      %dma_start3A_577 = arith.constant 0 : i32
      %dma_start3A_578 = tpu.memref_slice %arg9[%dma_start3A_576, %dma_start3A_577] : memref<10112x128xf32, #tpu.memory_space<vmem_shared>> -> memref<10112x128xf32, #tpu.memory_space<vmem_shared>>
      tpu.enqueue_indirect_dma source(%dma_start3A_572 : memref<120x128xf32, #tpu.memory_space<vmem>>) target(%dma_start3A_578 : memref<10112x128xf32, #tpu.memory_space<vmem_shared>>) offsets(%dma_start3A_575 : memref<120xi32, #tpu.memory_space<vmem>>) semaphore(%arg17 : memref<!tpu.dma_semaphore, #tpu.memory_space<semaphore_mem>>) {add = true}
      %dma_wait3A_579 = arith.constant 0 : i32
      %dma_wait3A_580 = arith.constant 0 : i32
      %dma_wait3A_581 = arith.constant 0 : i32
      %dma_wait3A_582 = arith.constant 0 : i32
      %dma_wait3A_583 = tpu.memref_slice %arg8[%dma_wait3A_579, %dma_wait3A_581, %dma_wait3A_582] : memref<3x120x128xf32, #tpu.memory_space<vmem>> -> memref<1x120x128xf32, #tpu.memory_space<vmem>>
      %dma_wait3A_584 = tpu.memref_squeeze %dma_wait3A_583 : memref<1x120x128xf32, #tpu.memory_space<vmem>> -> memref<120x128xf32, #tpu.memory_space<vmem>>
      %dma_wait3A_585 = arith.constant 0 : i32
      %dma_wait3A_586 = tpu.memref_slice %arg7[%dma_wait3A_580, %dma_wait3A_585] : memref<3x120xi32, #tpu.memory_space<vmem>> -> memref<1x120xi32, #tpu.memory_space<vmem>>
      %dma_wait3A_587 = tpu.memref_squeeze %dma_wait3A_586 : memref<1x120xi32, #tpu.memory_space<vmem>> -> memref<120xi32, #tpu.memory_space<vmem>>
      %dma_wait3A_588 = arith.constant 0 : i32
      %dma_wait3A_589 = arith.constant 0 : i32
      %dma_wait3A_590 = tpu.memref_slice %arg9[%dma_wait3A_588, %dma_wait3A_589] : memref<10112x128xf32, #tpu.memory_space<vmem_shared>> -> memref<10112x128xf32, #tpu.memory_space<vmem_shared>>
      tpu.wait_indirect_dma semaphore(%arg16 : memref<!tpu.dma_semaphore, #tpu.memory_space<semaphore_mem>>) src(%dma_wait3A_584 : memref<120x128xf32, #tpu.memory_space<vmem>>) dst(%dma_wait3A_590 : memref<10112x128xf32, #tpu.memory_space<vmem_shared>>)
      %add3A_591 = arith.constant 3 : i32
      %add3A_592 = arith.addi %add3A_533, %add3A_591 : i32
      %sub3A_593 = arith.constant 1 : i32
      %sub3A_594 = arith.subi %add3A_592, %sub3A_593 : i32
      %lt3A_595 = arith.constant 84 : i32
      %lt3A_596 = arith.cmpi slt, %sub3A_594, %lt3A_595 : i32
      %convert_element_type3A_597 = arith.extui %lt3A_596 : i1 to i32
      %cond3A_598 = arith.constant 0 : i32
      %cond3A_599 = arith.cmpi ne, %convert_element_type3A_597, %cond3A_598 : i32
      scf.if %cond3A_599 {
        %dma_wait3A_668 = arith.constant 0 : i32
        %dma_wait3A_669 = arith.constant 0 : i32
        %dma_wait3A_670 = arith.constant 0 : i32
        %dma_wait3A_671 = tpu.memref_slice %arg6[%dma_wait3A_669, %dma_wait3A_670] : memref<3x120xi32, #tpu.memory_space<vmem>> -> memref<1x120xi32, #tpu.memory_space<vmem>>
        %dma_wait3A_672 = tpu.memref_squeeze %dma_wait3A_671 : memref<1x120xi32, #tpu.memory_space<vmem>> -> memref<120xi32, #tpu.memory_space<vmem>>
        %dma_wait3A_673 = arith.constant 0 : i32
        %dma_wait3A_674 = tpu.memref_slice %arg2[%add3A, %dma_wait3A_668, %dma_wait3A_673] : memref<32x84x120xi32, #tpu.memory_space<hbm>> -> memref<1x1x120xi32, #tpu.memory_space<hbm>>
        %dma_wait3A_675 = tpu.memref_squeeze %dma_wait3A_674 : memref<1x1x120xi32, #tpu.memory_space<hbm>> -> memref<120xi32, #tpu.memory_space<hbm>>
        %dma_wait3A_676 = arith.constant 0 : i32
        %dma_wait3A_677 = tpu.memref_slice %arg6[%dma_wait3A_669, %dma_wait3A_676] : memref<3x120xi32, #tpu.memory_space<vmem>> -> memref<1x120xi32, #tpu.memory_space<vmem>>
        %dma_wait3A_678 = tpu.memref_squeeze %dma_wait3A_677 : memref<1x120xi32, #tpu.memory_space<vmem>> -> memref<120xi32, #tpu.memory_space<vmem>>
        %dma_wait3A_679 = arith.constant 0 : i32
        %dma_wait3A_680 = tpu.memref_slice %arg2[%add3A, %dma_wait3A_668, %dma_wait3A_679] : memref<32x84x120xi32, #tpu.memory_space<hbm>> -> memref<1x1x120xi32, #tpu.memory_space<hbm>>
        %dma_wait3A_681 = tpu.memref_squeeze %dma_wait3A_680 : memref<1x1x120xi32, #tpu.memory_space<hbm>> -> memref<120xi32, #tpu.memory_space<hbm>>
        tpu.wait_dma2 semaphore(%arg19 : memref<!tpu.dma_semaphore, #tpu.memory_space<semaphore_mem>>) src(%dma_wait3A_681 : memref<120xi32, #tpu.memory_space<hbm>>) dst(%dma_wait3A_678 : memref<120xi32, #tpu.memory_space<vmem>>)
        %dma_start3A_682 = arith.constant 0 : i32
        %dma_start3A_683 = arith.constant 0 : i32
        %dma_start3A_684 = arith.constant 0 : i32
        %dma_start3A_685 = arith.constant 0 : i32
        %dma_start3A_686 = tpu.memref_slice %arg8[%dma_start3A_683, %dma_start3A_684, %dma_start3A_685] : memref<3x120x128xf32, #tpu.memory_space<vmem>> -> memref<1x120x128xf32, #tpu.memory_space<vmem>>
        %dma_start3A_687 = tpu.memref_squeeze %dma_start3A_686 : memref<1x120x128xf32, #tpu.memory_space<vmem>> -> memref<120x128xf32, #tpu.memory_space<vmem>>
        %dma_start3A_688 = arith.constant 0 : i32
        %dma_start3A_689 = tpu.memref_slice %arg6[%dma_start3A_682, %dma_start3A_688] : memref<3x120xi32, #tpu.memory_space<vmem>> -> memref<1x120xi32, #tpu.memory_space<vmem>>
        %dma_start3A_690 = tpu.memref_squeeze %dma_start3A_689 : memref<1x120xi32, #tpu.memory_space<vmem>> -> memref<120xi32, #tpu.memory_space<vmem>>
        %dma_start3A_691 = arith.constant 0 : i32
        %dma_start3A_692 = arith.constant 0 : i32
        %dma_start3A_693 = tpu.memref_slice %arg4[%dma_start3A_691, %dma_start3A_692] : memref<10000x128xf32, #tpu.memory_space<hbm>> -> memref<10000x128xf32, #tpu.memory_space<hbm>>
        tpu.enqueue_indirect_dma source(%dma_start3A_693 : memref<10000x128xf32, #tpu.memory_space<hbm>>) target(%dma_start3A_687 : memref<120x128xf32, #tpu.memory_space<vmem>>) offsets(%dma_start3A_690 : memref<120xi32, #tpu.memory_space<vmem>>) semaphore(%arg10 : memref<!tpu.dma_semaphore, #tpu.memory_space<semaphore_mem>>)
        %dma_start3A_694 = arith.constant 0 : i32
        %dma_start3A_695 = arith.constant 0 : i32
        %dma_start3A_696 = tpu.memref_slice %arg7[%dma_start3A_694, %dma_start3A_695] : memref<3x120xi32, #tpu.memory_space<vmem>> -> memref<1x120xi32, #tpu.memory_space<vmem>>
        %dma_start3A_697 = tpu.memref_squeeze %dma_start3A_696 : memref<1x120xi32, #tpu.memory_space<vmem>> -> memref<120xi32, #tpu.memory_space<vmem>>
        %dma_start3A_698 = arith.constant 0 : i32
        %dma_start3A_699 = tpu.memref_slice %arg3[%add3A, %sub3A_594, %dma_start3A_698] : memref<32x84x120xi32, #tpu.memory_space<hbm>> -> memref<1x1x120xi32, #tpu.memory_space<hbm>>
        %dma_start3A_700 = tpu.memref_squeeze %dma_start3A_699 : memref<1x1x120xi32, #tpu.memory_space<hbm>> -> memref<120xi32, #tpu.memory_space<hbm>>
        %dma_start3A_701 = arith.constant 0 : i32
        %dma_start3A_702 = tpu.memref_slice %arg7[%dma_start3A_694, %dma_start3A_701] : memref<3x120xi32, #tpu.memory_space<vmem>> -> memref<1x120xi32, #tpu.memory_space<vmem>>
        %dma_start3A_703 = tpu.memref_squeeze %dma_start3A_702 : memref<1x120xi32, #tpu.memory_space<vmem>> -> memref<120xi32, #tpu.memory_space<vmem>>
        %dma_start3A_704 = arith.constant 0 : i32
        %dma_start3A_705 = tpu.memref_slice %arg3[%add3A, %sub3A_594, %dma_start3A_704] : memref<32x84x120xi32, #tpu.memory_space<hbm>> -> memref<1x1x120xi32, #tpu.memory_space<hbm>>
        %dma_start3A_706 = tpu.memref_squeeze %dma_start3A_705 : memref<1x1x120xi32, #tpu.memory_space<hbm>> -> memref<120xi32, #tpu.memory_space<hbm>>
        tpu.enqueue_dma source(%dma_start3A_706 : memref<120xi32, #tpu.memory_space<hbm>>) target(%dma_start3A_703 : memref<120xi32, #tpu.memory_space<vmem>>) target_semaphore(%arg13 : memref<!tpu.dma_semaphore, #tpu.memory_space<semaphore_mem>>)
      } else {
      }
      %add3A_600 = arith.constant 2 : i32
      %add3A_601 = arith.addi %add3A_467, %add3A_600 : i32
      %dma_wait3A_602 = arith.constant 0 : i32
      %dma_wait3A_603 = arith.constant 2 : i32
      %dma_wait3A_604 = arith.constant 0 : i32
      %dma_wait3A_605 = arith.constant 0 : i32
      %dma_wait3A_606 = tpu.memref_slice %arg8[%dma_wait3A_603, %dma_wait3A_604, %dma_wait3A_605] : memref<3x120x128xf32, #tpu.memory_space<vmem>> -> memref<1x120x128xf32, #tpu.memory_space<vmem>>
      %dma_wait3A_607 = tpu.memref_squeeze %dma_wait3A_606 : memref<1x120x128xf32, #tpu.memory_space<vmem>> -> memref<120x128xf32, #tpu.memory_space<vmem>>
      %dma_wait3A_608 = arith.constant 0 : i32
      %dma_wait3A_609 = tpu.memref_slice %arg6[%dma_wait3A_602, %dma_wait3A_608] : memref<3x120xi32, #tpu.memory_space<vmem>> -> memref<1x120xi32, #tpu.memory_space<vmem>>
      %dma_wait3A_610 = tpu.memref_squeeze %dma_wait3A_609 : memref<1x120xi32, #tpu.memory_space<vmem>> -> memref<120xi32, #tpu.memory_space<vmem>>
      %dma_wait3A_611 = arith.constant 0 : i32
      %dma_wait3A_612 = arith.constant 0 : i32
      %dma_wait3A_613 = tpu.memref_slice %arg4[%dma_wait3A_611, %dma_wait3A_612] : memref<10000x128xf32, #tpu.memory_space<hbm>> -> memref<10000x128xf32, #tpu.memory_space<hbm>>
      tpu.wait_indirect_dma semaphore(%arg12 : memref<!tpu.dma_semaphore, #tpu.memory_space<semaphore_mem>>) src(%dma_wait3A_613 : memref<10000x128xf32, #tpu.memory_space<hbm>>) dst(%dma_wait3A_607 : memref<120x128xf32, #tpu.memory_space<vmem>>)
      %dma_wait3A_614 = arith.constant 0 : i32
      %dma_wait3A_615 = arith.constant 2 : i32
      %dma_wait3A_616 = arith.constant 0 : i32
      %dma_wait3A_617 = tpu.memref_slice %arg7[%dma_wait3A_615, %dma_wait3A_616] : memref<3x120xi32, #tpu.memory_space<vmem>> -> memref<1x120xi32, #tpu.memory_space<vmem>>
      %dma_wait3A_618 = tpu.memref_squeeze %dma_wait3A_617 : memref<1x120xi32, #tpu.memory_space<vmem>> -> memref<120xi32, #tpu.memory_space<vmem>>
      %dma_wait3A_619 = arith.constant 0 : i32
      %dma_wait3A_620 = tpu.memref_slice %arg3[%add3A, %dma_wait3A_614, %dma_wait3A_619] : memref<32x84x120xi32, #tpu.memory_space<hbm>> -> memref<1x1x120xi32, #tpu.memory_space<hbm>>
      %dma_wait3A_621 = tpu.memref_squeeze %dma_wait3A_620 : memref<1x1x120xi32, #tpu.memory_space<hbm>> -> memref<120xi32, #tpu.memory_space<hbm>>
      %dma_wait3A_622 = arith.constant 0 : i32
      %dma_wait3A_623 = tpu.memref_slice %arg7[%dma_wait3A_615, %dma_wait3A_622] : memref<3x120xi32, #tpu.memory_space<vmem>> -> memref<1x120xi32, #tpu.memory_space<vmem>>
      %dma_wait3A_624 = tpu.memref_squeeze %dma_wait3A_623 : memref<1x120xi32, #tpu.memory_space<vmem>> -> memref<120xi32, #tpu.memory_space<vmem>>
      %dma_wait3A_625 = arith.constant 0 : i32
      %dma_wait3A_626 = tpu.memref_slice %arg3[%add3A, %dma_wait3A_614, %dma_wait3A_625] : memref<32x84x120xi32, #tpu.memory_space<hbm>> -> memref<1x1x120xi32, #tpu.memory_space<hbm>>
      %dma_wait3A_627 = tpu.memref_squeeze %dma_wait3A_626 : memref<1x1x120xi32, #tpu.memory_space<hbm>> -> memref<120xi32, #tpu.memory_space<hbm>>
      tpu.wait_dma2 semaphore(%arg15 : memref<!tpu.dma_semaphore, #tpu.memory_space<semaphore_mem>>) src(%dma_wait3A_627 : memref<120xi32, #tpu.memory_space<hbm>>) dst(%dma_wait3A_624 : memref<120xi32, #tpu.memory_space<vmem>>)
      %add3A_628 = arith.constant 3 : i32
      %add3A_629 = arith.addi %add3A_601, %add3A_628 : i32
      %lt3A_630 = arith.constant 84 : i32
      %lt3A_631 = arith.cmpi slt, %add3A_629, %lt3A_630 : i32
      %convert_element_type3A_632 = arith.extui %lt3A_631 : i1 to i32
      %cond3A_633 = arith.constant 0 : i32
      %cond3A_634 = arith.cmpi ne, %convert_element_type3A_632, %cond3A_633 : i32
      scf.if %cond3A_634 {
        %dma_start3A_668 = arith.constant 2 : i32
        %dma_start3A_669 = arith.constant 0 : i32
        %dma_start3A_670 = tpu.memref_slice %arg6[%dma_start3A_668, %dma_start3A_669] : memref<3x120xi32, #tpu.memory_space<vmem>> -> memref<1x120xi32, #tpu.memory_space<vmem>>
        %dma_start3A_671 = tpu.memref_squeeze %dma_start3A_670 : memref<1x120xi32, #tpu.memory_space<vmem>> -> memref<120xi32, #tpu.memory_space<vmem>>
        %dma_start3A_672 = arith.constant 0 : i32
        %dma_start3A_673 = tpu.memref_slice %arg2[%add3A, %add3A_629, %dma_start3A_672] : memref<32x84x120xi32, #tpu.memory_space<hbm>> -> memref<1x1x120xi32, #tpu.memory_space<hbm>>
        %dma_start3A_674 = tpu.memref_squeeze %dma_start3A_673 : memref<1x1x120xi32, #tpu.memory_space<hbm>> -> memref<120xi32, #tpu.memory_space<hbm>>
        %dma_start3A_675 = arith.constant 0 : i32
        %dma_start3A_676 = tpu.memref_slice %arg6[%dma_start3A_668, %dma_start3A_675] : memref<3x120xi32, #tpu.memory_space<vmem>> -> memref<1x120xi32, #tpu.memory_space<vmem>>
        %dma_start3A_677 = tpu.memref_squeeze %dma_start3A_676 : memref<1x120xi32, #tpu.memory_space<vmem>> -> memref<120xi32, #tpu.memory_space<vmem>>
        %dma_start3A_678 = arith.constant 0 : i32
        %dma_start3A_679 = tpu.memref_slice %arg2[%add3A, %add3A_629, %dma_start3A_678] : memref<32x84x120xi32, #tpu.memory_space<hbm>> -> memref<1x1x120xi32, #tpu.memory_space<hbm>>
        %dma_start3A_680 = tpu.memref_squeeze %dma_start3A_679 : memref<1x1x120xi32, #tpu.memory_space<hbm>> -> memref<120xi32, #tpu.memory_space<hbm>>
        tpu.enqueue_dma source(%dma_start3A_680 : memref<120xi32, #tpu.memory_space<hbm>>) target(%dma_start3A_677 : memref<120xi32, #tpu.memory_space<vmem>>) target_semaphore(%arg21 : memref<!tpu.dma_semaphore, #tpu.memory_space<semaphore_mem>>)
      } else {
      }
      %dma_start3A_635 = arith.constant 2 : i32
      %dma_start3A_636 = arith.constant 2 : i32
      %dma_start3A_637 = arith.constant 0 : i32
      %dma_start3A_638 = arith.constant 0 : i32
      %dma_start3A_639 = tpu.memref_slice %arg8[%dma_start3A_635, %dma_start3A_637, %dma_start3A_638] : memref<3x120x128xf32, #tpu.memory_space<vmem>> -> memref<1x120x128xf32, #tpu.memory_space<vmem>>
      %dma_start3A_640 = tpu.memref_squeeze %dma_start3A_639 : memref<1x120x128xf32, #tpu.memory_space<vmem>> -> memref<120x128xf32, #tpu.memory_space<vmem>>
      %dma_start3A_641 = arith.constant 0 : i32
      %dma_start3A_642 = tpu.memref_slice %arg7[%dma_start3A_636, %dma_start3A_641] : memref<3x120xi32, #tpu.memory_space<vmem>> -> memref<1x120xi32, #tpu.memory_space<vmem>>
      %dma_start3A_643 = tpu.memref_squeeze %dma_start3A_642 : memref<1x120xi32, #tpu.memory_space<vmem>> -> memref<120xi32, #tpu.memory_space<vmem>>
      %dma_start3A_644 = arith.constant 0 : i32
      %dma_start3A_645 = arith.constant 0 : i32
      %dma_start3A_646 = tpu.memref_slice %arg9[%dma_start3A_644, %dma_start3A_645] : memref<10112x128xf32, #tpu.memory_space<vmem_shared>> -> memref<10112x128xf32, #tpu.memory_space<vmem_shared>>
      tpu.enqueue_indirect_dma source(%dma_start3A_640 : memref<120x128xf32, #tpu.memory_space<vmem>>) target(%dma_start3A_646 : memref<10112x128xf32, #tpu.memory_space<vmem_shared>>) offsets(%dma_start3A_643 : memref<120xi32, #tpu.memory_space<vmem>>) semaphore(%arg18 : memref<!tpu.dma_semaphore, #tpu.memory_space<semaphore_mem>>) {add = true}
      %dma_wait3A_647 = arith.constant 1 : i32
      %dma_wait3A_648 = arith.constant 0 : i32
      %dma_wait3A_649 = arith.constant 0 : i32
      %dma_wait3A_650 = arith.constant 0 : i32
      %dma_wait3A_651 = tpu.memref_slice %arg8[%dma_wait3A_647, %dma_wait3A_649, %dma_wait3A_650] : memref<3x120x128xf32, #tpu.memory_space<vmem>> -> memref<1x120x128xf32, #tpu.memory_space<vmem>>
      %dma_wait3A_652 = tpu.memref_squeeze %dma_wait3A_651 : memref<1x120x128xf32, #tpu.memory_space<vmem>> -> memref<120x128xf32, #tpu.memory_space<vmem>>
      %dma_wait3A_653 = arith.constant 0 : i32
      %dma_wait3A_654 = tpu.memref_slice %arg7[%dma_wait3A_648, %dma_wait3A_653] : memref<3x120xi32, #tpu.memory_space<vmem>> -> memref<1x120xi32, #tpu.memory_space<vmem>>
      %dma_wait3A_655 = tpu.memref_squeeze %dma_wait3A_654 : memref<1x120xi32, #tpu.memory_space<vmem>> -> memref<120xi32, #tpu.memory_space<vmem>>
      %dma_wait3A_656 = arith.constant 0 : i32
      %dma_wait3A_657 = arith.constant 0 : i32
      %dma_wait3A_658 = tpu.memref_slice %arg9[%dma_wait3A_656, %dma_wait3A_657] : memref<10112x128xf32, #tpu.memory_space<vmem_shared>> -> memref<10112x128xf32, #tpu.memory_space<vmem_shared>>
      tpu.wait_indirect_dma semaphore(%arg17 : memref<!tpu.dma_semaphore, #tpu.memory_space<semaphore_mem>>) src(%dma_wait3A_652 : memref<120x128xf32, #tpu.memory_space<vmem>>) dst(%dma_wait3A_658 : memref<10112x128xf32, #tpu.memory_space<vmem_shared>>)
      %add3A_659 = arith.constant 3 : i32
      %add3A_660 = arith.addi %add3A_601, %add3A_659 : i32
      %sub3A_661 = arith.constant 1 : i32
      %sub3A_662 = arith.subi %add3A_660, %sub3A_661 : i32
      %lt3A_663 = arith.constant 84 : i32
      %lt3A_664 = arith.cmpi slt, %sub3A_662, %lt3A_663 : i32
      %convert_element_type3A_665 = arith.extui %lt3A_664 : i1 to i32
      %cond3A_666 = arith.constant 0 : i32
      %cond3A_667 = arith.cmpi ne, %convert_element_type3A_665, %cond3A_666 : i32
      scf.if %cond3A_667 {
        %dma_wait3A_668 = arith.constant 0 : i32
        %dma_wait3A_669 = arith.constant 1 : i32
        %dma_wait3A_670 = arith.constant 0 : i32
        %dma_wait3A_671 = tpu.memref_slice %arg6[%dma_wait3A_669, %dma_wait3A_670] : memref<3x120xi32, #tpu.memory_space<vmem>> -> memref<1x120xi32, #tpu.memory_space<vmem>>
        %dma_wait3A_672 = tpu.memref_squeeze %dma_wait3A_671 : memref<1x120xi32, #tpu.memory_space<vmem>> -> memref<120xi32, #tpu.memory_space<vmem>>
        %dma_wait3A_673 = arith.constant 0 : i32
        %dma_wait3A_674 = tpu.memref_slice %arg2[%add3A, %dma_wait3A_668, %dma_wait3A_673] : memref<32x84x120xi32, #tpu.memory_space<hbm>> -> memref<1x1x120xi32, #tpu.memory_space<hbm>>
        %dma_wait3A_675 = tpu.memref_squeeze %dma_wait3A_674 : memref<1x1x120xi32, #tpu.memory_space<hbm>> -> memref<120xi32, #tpu.memory_space<hbm>>
        %dma_wait3A_676 = arith.constant 0 : i32
        %dma_wait3A_677 = tpu.memref_slice %arg6[%dma_wait3A_669, %dma_wait3A_676] : memref<3x120xi32, #tpu.memory_space<vmem>> -> memref<1x120xi32, #tpu.memory_space<vmem>>
        %dma_wait3A_678 = tpu.memref_squeeze %dma_wait3A_677 : memref<1x120xi32, #tpu.memory_space<vmem>> -> memref<120xi32, #tpu.memory_space<vmem>>
        %dma_wait3A_679 = arith.constant 0 : i32
        %dma_wait3A_680 = tpu.memref_slice %arg2[%add3A, %dma_wait3A_668, %dma_wait3A_679] : memref<32x84x120xi32, #tpu.memory_space<hbm>> -> memref<1x1x120xi32, #tpu.memory_space<hbm>>
        %dma_wait3A_681 = tpu.memref_squeeze %dma_wait3A_680 : memref<1x1x120xi32, #tpu.memory_space<hbm>> -> memref<120xi32, #tpu.memory_space<hbm>>
        tpu.wait_dma2 semaphore(%arg20 : memref<!tpu.dma_semaphore, #tpu.memory_space<semaphore_mem>>) src(%dma_wait3A_681 : memref<120xi32, #tpu.memory_space<hbm>>) dst(%dma_wait3A_678 : memref<120xi32, #tpu.memory_space<vmem>>)
        %dma_start3A_682 = arith.constant 1 : i32
        %dma_start3A_683 = arith.constant 1 : i32
        %dma_start3A_684 = arith.constant 0 : i32
        %dma_start3A_685 = arith.constant 0 : i32
        %dma_start3A_686 = tpu.memref_slice %arg8[%dma_start3A_683, %dma_start3A_684, %dma_start3A_685] : memref<3x120x128xf32, #tpu.memory_space<vmem>> -> memref<1x120x128xf32, #tpu.memory_space<vmem>>
        %dma_start3A_687 = tpu.memref_squeeze %dma_start3A_686 : memref<1x120x128xf32, #tpu.memory_space<vmem>> -> memref<120x128xf32, #tpu.memory_space<vmem>>
        %dma_start3A_688 = arith.constant 0 : i32
        %dma_start3A_689 = tpu.memref_slice %arg6[%dma_start3A_682, %dma_start3A_688] : memref<3x120xi32, #tpu.memory_space<vmem>> -> memref<1x120xi32, #tpu.memory_space<vmem>>
        %dma_start3A_690 = tpu.memref_squeeze %dma_start3A_689 : memref<1x120xi32, #tpu.memory_space<vmem>> -> memref<120xi32, #tpu.memory_space<vmem>>
        %dma_start3A_691 = arith.constant 0 : i32
        %dma_start3A_692 = arith.constant 0 : i32
        %dma_start3A_693 = tpu.memref_slice %arg4[%dma_start3A_691, %dma_start3A_692] : memref<10000x128xf32, #tpu.memory_space<hbm>> -> memref<10000x128xf32, #tpu.memory_space<hbm>>
        tpu.enqueue_indirect_dma source(%dma_start3A_693 : memref<10000x128xf32, #tpu.memory_space<hbm>>) target(%dma_start3A_687 : memref<120x128xf32, #tpu.memory_space<vmem>>) offsets(%dma_start3A_690 : memref<120xi32, #tpu.memory_space<vmem>>) semaphore(%arg11 : memref<!tpu.dma_semaphore, #tpu.memory_space<semaphore_mem>>)
        %dma_start3A_694 = arith.constant 1 : i32
        %dma_start3A_695 = arith.constant 0 : i32
        %dma_start3A_696 = tpu.memref_slice %arg7[%dma_start3A_694, %dma_start3A_695] : memref<3x120xi32, #tpu.memory_space<vmem>> -> memref<1x120xi32, #tpu.memory_space<vmem>>
        %dma_start3A_697 = tpu.memref_squeeze %dma_start3A_696 : memref<1x120xi32, #tpu.memory_space<vmem>> -> memref<120xi32, #tpu.memory_space<vmem>>
        %dma_start3A_698 = arith.constant 0 : i32
        %dma_start3A_699 = tpu.memref_slice %arg3[%add3A, %sub3A_662, %dma_start3A_698] : memref<32x84x120xi32, #tpu.memory_space<hbm>> -> memref<1x1x120xi32, #tpu.memory_space<hbm>>
        %dma_start3A_700 = tpu.memref_squeeze %dma_start3A_699 : memref<1x1x120xi32, #tpu.memory_space<hbm>> -> memref<120xi32, #tpu.memory_space<hbm>>
        %dma_start3A_701 = arith.constant 0 : i32
        %dma_start3A_702 = tpu.memref_slice %arg7[%dma_start3A_694, %dma_start3A_701] : memref<3x120xi32, #tpu.memory_space<vmem>> -> memref<1x120xi32, #tpu.memory_space<vmem>>
        %dma_start3A_703 = tpu.memref_squeeze %dma_start3A_702 : memref<1x120xi32, #tpu.memory_space<vmem>> -> memref<120xi32, #tpu.memory_space<vmem>>
        %dma_start3A_704 = arith.constant 0 : i32
        %dma_start3A_705 = tpu.memref_slice %arg3[%add3A, %sub3A_662, %dma_start3A_704] : memref<32x84x120xi32, #tpu.memory_space<hbm>> -> memref<1x1x120xi32, #tpu.memory_space<hbm>>
        %dma_start3A_706 = tpu.memref_squeeze %dma_start3A_705 : memref<1x1x120xi32, #tpu.memory_space<hbm>> -> memref<120xi32, #tpu.memory_space<hbm>>
        tpu.enqueue_dma source(%dma_start3A_706 : memref<120xi32, #tpu.memory_space<hbm>>) target(%dma_start3A_703 : memref<120xi32, #tpu.memory_space<vmem>>) target_semaphore(%arg14 : memref<!tpu.dma_semaphore, #tpu.memory_space<semaphore_mem>>)
      } else {
      }
    }
    %scan3A_449 = arith.constant 27 : i32
    %dma_wait3A_450 = arith.constant 2 : i32
    %dma_wait3A_451 = arith.constant 0 : i32
    %dma_wait3A_452 = arith.constant 0 : i32
    %dma_wait3A_453 = arith.constant 0 : i32
    %dma_wait3A_454 = tpu.memref_slice %arg8[%dma_wait3A_450, %dma_wait3A_452, %dma_wait3A_453] : memref<3x120x128xf32, #tpu.memory_space<vmem>> -> memref<1x120x128xf32, #tpu.memory_space<vmem>>
    %dma_wait3A_455 = tpu.memref_squeeze %dma_wait3A_454 : memref<1x120x128xf32, #tpu.memory_space<vmem>> -> memref<120x128xf32, #tpu.memory_space<vmem>>
    %dma_wait3A_456 = arith.constant 0 : i32
    %dma_wait3A_457 = tpu.memref_slice %arg7[%dma_wait3A_451, %dma_wait3A_456] : memref<3x120xi32, #tpu.memory_space<vmem>> -> memref<1x120xi32, #tpu.memory_space<vmem>>
    %dma_wait3A_458 = tpu.memref_squeeze %dma_wait3A_457 : memref<1x120xi32, #tpu.memory_space<vmem>> -> memref<120xi32, #tpu.memory_space<vmem>>
    %dma_wait3A_459 = arith.constant 0 : i32
    %dma_wait3A_460 = arith.constant 0 : i32
    %dma_wait3A_461 = tpu.memref_slice %arg9[%dma_wait3A_459, %dma_wait3A_460] : memref<10112x128xf32, #tpu.memory_space<vmem_shared>> -> memref<10112x128xf32, #tpu.memory_space<vmem_shared>>
    tpu.wait_indirect_dma semaphore(%arg18 : memref<!tpu.dma_semaphore, #tpu.memory_space<semaphore_mem>>) src(%dma_wait3A_455 : memref<120x128xf32, #tpu.memory_space<vmem>>) dst(%dma_wait3A_461 : memref<10112x128xf32, #tpu.memory_space<vmem_shared>>)
    %barrier3A_462 = arith.constant 0 : index
    tpu.barrier barrier_id(%barrier3A_462)
    "tpu.region"() ({
      %run_scoped3A_463 = tpu.sem_alloc : memref<!tpu.dma_semaphore, #tpu.memory_space<semaphore_mem>>
      %dma_start3A_464 = arith.constant 0 : i32
      %dma_start3A_465 = tpu.memref_slice %arg5[%arg0, %mul3A_7, %dma_start3A_464] : memref<2x10112x128xf32, #tpu.memory_space<hbm>> -> memref<1x632x128xf32, #tpu.memory_space<hbm>>
      %dma_start3A_466 = tpu.memref_squeeze %dma_start3A_465 : memref<1x632x128xf32, #tpu.memory_space<hbm>> -> memref<632x128xf32, #tpu.memory_space<hbm>>
      %dma_start3A_467 = arith.constant 0 : i32
      %dma_start3A_468 = tpu.memref_slice %arg9[%mul3A_7, %dma_start3A_467] : memref<10112x128xf32, #tpu.memory_space<vmem_shared>> -> memref<632x128xf32, #tpu.memory_space<vmem_shared>>
      tpu.enqueue_dma source(%dma_start3A_468 : memref<632x128xf32, #tpu.memory_space<vmem_shared>>) target(%dma_start3A_466 : memref<632x128xf32, #tpu.memory_space<hbm>>) target_semaphore(%run_scoped3A_463 : memref<!tpu.dma_semaphore, #tpu.memory_space<semaphore_mem>>)
      %dma_wait3A_469 = arith.constant 0 : i32
      %dma_wait3A_470 = tpu.memref_slice %arg5[%arg0, %mul3A_7, %dma_wait3A_469] : memref<2x10112x128xf32, #tpu.memory_space<hbm>> -> memref<1x632x128xf32, #tpu.memory_space<hbm>>
      %dma_wait3A_471 = tpu.memref_squeeze %dma_wait3A_470 : memref<1x632x128xf32, #tpu.memory_space<hbm>> -> memref<632x128xf32, #tpu.memory_space<hbm>>
      %dma_wait3A_472 = arith.constant 0 : i32
      %dma_wait3A_473 = tpu.memref_slice %arg9[%mul3A_7, %dma_wait3A_472] : memref<10112x128xf32, #tpu.memory_space<vmem_shared>> -> memref<632x128xf32, #tpu.memory_space<vmem_shared>>
      tpu.wait_dma2 semaphore(%run_scoped3A_463 : memref<!tpu.dma_semaphore, #tpu.memory_space<semaphore_mem>>) src(%dma_wait3A_473 : memref<632x128xf32, #tpu.memory_space<vmem_shared>>) dst(%dma_wait3A_471 : memref<632x128xf32, #tpu.memory_space<hbm>>)
      tpu.yield
    }) : () -> ()
    return
  }
}

module attributes {stable_mosaic.version = 14 : i64} {
  func.func @_mlp_body(%arg0: memref<10000x128xf32, #tpu.memory_space<vmem>>, %arg1: memref<2x10112x128xf32, #tpu.memory_space<vmem>>, %arg2: memref<128x128xf32, #tpu.memory_space<vmem>>, %arg3: memref<1x128xf32, #tpu.memory_space<vmem>>, %arg4: memref<1x128xf32, #tpu.memory_space<vmem>>, %arg5: memref<1x128xf32, #tpu.memory_space<vmem>>, %arg6: memref<128x128xf32, #tpu.memory_space<vmem>>, %arg7: memref<1x128xf32, #tpu.memory_space<vmem>>, %arg8: memref<1x1xf32, #tpu.memory_space<vmem>>, %arg9: memref<10000x128xf32, #tpu.memory_space<vmem>>) attributes {dimension_semantics = [], scalar_prefetch = 0 : i64, scratch_operands = 0 : i64, tpu.core_type = #tpu.core_type<tc>} {
    %get3A = arith.constant 0 : index
    %get3A_0 = arith.constant 0 : index
    %get3A_1 = vector.load %arg0[%get3A, %get3A_0] : memref<10000x128xf32, #tpu.memory_space<vmem>>, vector<10000x128xf32>
    %get3A_2 = arith.constant 0 : index
    %get3A_3 = arith.constant 0 : index
    %get3A_4 = vector.load %arg8[%get3A_2, %get3A_3] : memref<1x1xf32, #tpu.memory_space<vmem>>, vector<1x1xf32>
    %get3A_5 = vector.extract %get3A_4[0, 0] : f32 from vector<1x1xf32>
    %add3A = arith.constant 1.000000e+00 : f32
    %add3A_6 = arith.addf %add3A, %get3A_5 : f32
    %mul3A = vector.broadcast %add3A_6 : f32 to vector<10000x128xf32>
    %mul3A_7 = arith.mulf %get3A_1, %mul3A : vector<10000x128xf32>
    %get3A_8 = arith.constant 0 : index
    %get3A_9 = arith.constant 0 : index
    %get3A_10 = arith.constant 0 : index
    %get3A_11 = vector.load %arg1[%get3A_8, %get3A_9, %get3A_10] : memref<2x10112x128xf32, #tpu.memory_space<vmem>>, vector<1x10000x128xf32>
    %get3A_12 = vector.shape_cast %get3A_11 : vector<1x10000x128xf32> to vector<10000x128xf32>
    %add3A_13 = arith.addf %mul3A_7, %get3A_12 : vector<10000x128xf32>
    %get3A_14 = arith.constant 1 : index
    %get3A_15 = arith.constant 0 : index
    %get3A_16 = arith.constant 0 : index
    %get3A_17 = vector.load %arg1[%get3A_14, %get3A_15, %get3A_16] : memref<2x10112x128xf32, #tpu.memory_space<vmem>>, vector<1x10000x128xf32>
    %get3A_18 = vector.shape_cast %get3A_17 : vector<1x10000x128xf32> to vector<10000x128xf32>
    %add3A_19 = arith.addf %add3A_13, %get3A_18 : vector<10000x128xf32>
    %get3A_20 = arith.constant 0 : index
    %get3A_21 = arith.constant 0 : index
    %get3A_22 = vector.load %arg2[%get3A_20, %get3A_21] : memref<128x128xf32, #tpu.memory_space<vmem>>, vector<128x128xf32>
    %dot_general3A = arith.constant dense<0.000000e+00> : vector<10000x128xf32>
    %dot_general3A_23 = tpu.matmul %add3A_19, %get3A_22, %dot_general3A {dimension_numbers = #tpu.dot_dimension_numbers<[1], [0], [0], [1], [0, 0, 1, 1], [], []>, transpose_lhs_hint = false} : vector<10000x128xf32>, vector<128x128xf32>, vector<10000x128xf32> -> vector<10000x128xf32>
    %get3A_24 = arith.constant 0 : index
    %get3A_25 = arith.constant 0 : index
    %get3A_26 = vector.load %arg3[%get3A_24, %get3A_25] : memref<1x128xf32, #tpu.memory_space<vmem>>, vector<1x128xf32>
    %add3A_27 = vector.broadcast %get3A_26 : vector<1x128xf32> to vector<10000x128xf32>
    %add3A_28 = arith.addf %dot_general3A_23, %add3A_27 : vector<10000x128xf32>
    %reduce_sum3A = arith.constant dense<0.000000e+00> : vector<128xf32>
    %reduce_sum3A_29 = vector.multi_reduction <add>, %add3A_28, %reduce_sum3A [0] : vector<10000x128xf32> to vector<128xf32>
    %broadcast_in_dim3A = vector.shape_cast %reduce_sum3A_29 : vector<128xf32> to vector<1x128xf32>
    %div3A = arith.constant 1.000000e+04 : f32
    %div3A_30 = vector.broadcast %div3A : f32 to vector<1x128xf32>
    %div3A_31 = arith.divf %broadcast_in_dim3A, %div3A_30 : vector<1x128xf32>
    %sub3A = vector.broadcast %div3A_31 : vector<1x128xf32> to vector<10000x128xf32>
    %sub3A_32 = arith.subf %add3A_28, %sub3A : vector<10000x128xf32>
    %mul3A_33 = arith.mulf %sub3A_32, %sub3A_32 : vector<10000x128xf32>
    %reduce_sum3A_34 = arith.constant dense<0.000000e+00> : vector<128xf32>
    %reduce_sum3A_35 = vector.multi_reduction <add>, %mul3A_33, %reduce_sum3A_34 [0] : vector<10000x128xf32> to vector<128xf32>
    %broadcast_in_dim3A_36 = vector.shape_cast %reduce_sum3A_35 : vector<128xf32> to vector<1x128xf32>
    %div3A_37 = arith.constant 1.000000e+04 : f32
    %div3A_38 = vector.broadcast %div3A_37 : f32 to vector<1x128xf32>
    %div3A_39 = arith.divf %broadcast_in_dim3A_36, %div3A_38 : vector<1x128xf32>
    %add3A_40 = arith.constant 9.99999974E-6 : f32
    %add3A_41 = vector.broadcast %add3A_40 : f32 to vector<1x128xf32>
    %add3A_42 = arith.addf %div3A_39, %add3A_41 : vector<1x128xf32>
    %rsqrt3A = math.rsqrt %add3A_42 : vector<1x128xf32>
    %mul3A_43 = vector.broadcast %rsqrt3A : vector<1x128xf32> to vector<10000x128xf32>
    %mul3A_44 = arith.mulf %sub3A_32, %mul3A_43 : vector<10000x128xf32>
    %get3A_45 = arith.constant 0 : index
    %get3A_46 = arith.constant 0 : index
    %get3A_47 = vector.load %arg4[%get3A_45, %get3A_46] : memref<1x128xf32, #tpu.memory_space<vmem>>, vector<1x128xf32>
    %mul3A_48 = vector.broadcast %get3A_47 : vector<1x128xf32> to vector<10000x128xf32>
    %mul3A_49 = arith.mulf %mul3A_44, %mul3A_48 : vector<10000x128xf32>
    %get3A_50 = arith.constant 0 : index
    %get3A_51 = arith.constant 0 : index
    %get3A_52 = vector.load %arg5[%get3A_50, %get3A_51] : memref<1x128xf32, #tpu.memory_space<vmem>>, vector<1x128xf32>
    %add3A_53 = vector.broadcast %get3A_52 : vector<1x128xf32> to vector<10000x128xf32>
    %add3A_54 = arith.addf %mul3A_49, %add3A_53 : vector<10000x128xf32>
    %max3A = arith.constant 0.000000e+00 : f32
    %max3A_55 = vector.broadcast %max3A : f32 to vector<10000x128xf32>
    %max3A_56 = arith.maximumf %add3A_54, %max3A_55 : vector<10000x128xf32>
    %get3A_57 = arith.constant 0 : index
    %get3A_58 = arith.constant 0 : index
    %get3A_59 = vector.load %arg6[%get3A_57, %get3A_58] : memref<128x128xf32, #tpu.memory_space<vmem>>, vector<128x128xf32>
    %dot_general3A_60 = arith.constant dense<0.000000e+00> : vector<10000x128xf32>
    %dot_general3A_61 = tpu.matmul %max3A_56, %get3A_59, %dot_general3A_60 {dimension_numbers = #tpu.dot_dimension_numbers<[1], [0], [0], [1], [0, 0, 1, 1], [], []>, transpose_lhs_hint = false} : vector<10000x128xf32>, vector<128x128xf32>, vector<10000x128xf32> -> vector<10000x128xf32>
    %get3A_62 = arith.constant 0 : index
    %get3A_63 = arith.constant 0 : index
    %get3A_64 = vector.load %arg7[%get3A_62, %get3A_63] : memref<1x128xf32, #tpu.memory_space<vmem>>, vector<1x128xf32>
    %add3A_65 = vector.broadcast %get3A_64 : vector<1x128xf32> to vector<10000x128xf32>
    %add3A_66 = arith.addf %dot_general3A_61, %add3A_65 : vector<10000x128xf32>
    %swap3A = arith.constant 0 : index
    %swap3A_67 = arith.constant 0 : index
    %swap3A_68 = vector.load %arg9[%swap3A, %swap3A_67] : memref<10000x128xf32, #tpu.memory_space<vmem>>, vector<10000x128xf32>
    tpu.vector_store %arg9[%swap3A, %swap3A_67], %add3A_66 {strides = array<i32>} : memref<10000x128xf32, #tpu.memory_space<vmem>>, vector<10000x128xf32>,
    return
  }
}

</mosaic_0001>

<sc_bundles>
// kernel: kernel.4.cloned.1.call-start
scs
__scs_entry_jumppad:
0x0: {  	(pc) =	sbr.rel $0x88, $3  }
0x1: {  	(tag) =	ssettag $0x0;
	lr =	simm.s32 $0x1  }
0x2: {  	[smem:$0x3F98] =	sst lr;
	_ =	strace $0xD0000000  }
0x3: {  	_ = 	snop  }
0x4: {  	_ = 	snop  }
0x5: {  	_ = 	snop  }
0x6: {  	_ = 	snop  }
0x7: {  	_ = 	snop  }
__scs_overlays_trampoline_lowered:
0x8: {  	[smem:$0x3FA7] =	sst s0  }
0x9: {  	[smem:$0x3FA8] =	sst s1  }
0xa: {  	[smem:$0x3FA9] =	sst s2  }
0xb: {  	[smem:$0x3FAA] =	sst s3  }
0xc: {  	[smem:$0x3FAB] =	sst s4  }
0xd: {  	[smem:$0x3FAC] =	sst s5  }
0xe: {  	[smem:$0x3FAD] =	sst s6  }
0xf: {  	[smem:$0x3FAE] =	sst s7  }
0x10: {  	[smem:$0x3FAF] =	sst s8  }
0x11: {  	[smem:$0x3FB0] =	sst s9;
	s0 =	simm.s32 @!p0 $0x0  }
0x12: {  	s1 =	sld [smem:$0x3F96];
	s0 =	simm.s32 @p0 $0x1  }
0x13: {  	[smem:$0x3FB1] =	sst s0;
	s0 =	simm.s32 @!p1 $0x0  }
0x14: {  	s2 =	sld [smem:$0x3F95];
	s0 =	simm.s32 @p1 $0x1  }
0x15: {  	[smem:$0x3FB2] =	sst s0;
	s0 =	simm.s32 @!p2 $0x0  }
0x16: {  	s3 =	sld [smem:$0x3FDB];
	s0 =	simm.s32 @p2 $0x1  }
0x17: {  	s4 =	simm.s32 $0x1BF5;
	[smem:$0x3FB4] =	sst s0  }
0x18: {  	s0 =	sld [smem:$0x3F97];
	_ =	swait.ge [sflag:s4], $0x0  }
0x19: {  	s7 =	sld [smem:$0x3F98]  }
0x1a: {  	s8 =	sadd.s32 $0xFFFFE003, lr  }
0x1b: {  	s9 =	sadd.s32 $0xFFFFFEF7, lr;
	s5 =	simm.s32 $0xFFFFFFFF;
	p2 =	slt.u32 s8, $0xFFFFF086  }
0x1c: {  	p1 =	slt.u32 s9, $0xF7A;
	s5 =	simm.s32 @!p2 $0x0  }
0x1d: {  	s5 =	simm.s32 @p1 $0x1;
	p0 =	seq.s32 s7, s2  }
0x1e: {  	s7 =	smul.u32 @!p0 $0xF7A, s2;
	p2 =	seq.s32 @!p0 s5, $0x0  }
0x1f: {  	s9 =	smul.u32 $0xF7A, s1;
	s8 =	simm.s32 @!p0 $0x1BF5;
	p2 =	por !p2, p0  }
0x20: {  	[sflag:s8] =	ssyncset.s32 @!p0 $0xFFFFF086;
	s6 =	sadd.s32 @!p0 s3, s7;
	s7 =	simm.s32 @!p0 $0x108  }
0x21: {  	s3 =	sadd.s32 s3, s9;
	s6 =	sadd.s32 @!p0 $0x88, s6;
	s7 =	simm.s32 @p2 $0x1082  }
0x22: {  	[simem:s7], [sflag:s8] =	dma.local @!p0 [hbm:s6], $0xF7A  }
0x23: {  	s9 =	sor.u32 $0xD0000000, s2;
	s6 =	simm.s32 $0x108;
	_ =	swait.ge @!p0 [sflag:s8], $0x0  }
0x24: {  	s3 =	sadd.s32 $0x88, s3;
	s6 =	simm.s32 @!p1 $0x1082;
	[sflag:s4] =	ssyncset.s32 $0xFFFFF086  }
0x25: {  	[simem:s6], [sflag:s4] =	dma.local [hbm:s3], $0xF7A  }
0x26: {  	[smem:$0x3F98] =	sst s1;
	(tag) =	ssettag s2;
	_ =	strace s9  }
0x27: {  	s1 =	sld [smem:$0x3FA8]  }
0x28: {  	s2 =	sld [smem:$0x3FA9]  }
0x29: {  	s4 =	sld [smem:$0x3FAB]  }
0x2a: {  	p0 =	seq.s32 s5, $0x0;
	s5 =	sld [smem:$0x3FAC]  }
0x2b: {  	s6 =	sld [smem:$0x3FAD]  }
0x2c: {  	s7 =	sld [smem:$0x3FAE]  }
0x2d: {  	s3 =	simm.s32 $0x108;
	s8 =	sld [smem:$0x3FAF]  }
0x2e: {  	s3 =	simm.s32 @!p0 $0x1082;
	s9 =	sld [smem:$0x3FB0]  }
0x2f: {  	lr =	sadd.s32 s0, s3;
	s0 =	sld [smem:$0x3FA7]  }
0x30: {  	s3 =	sld [smem:$0x3FAA]  }
0x31: {  	[smem:$0x3FB3] =	sst s10  }
0x32: {  	s10 =	sld [smem:$0x3FB1];
	_ =	sdelay $0x3  }
0x33: {  	p0 =	seq.s32 s10, $0x1;
	s10 =	sld [smem:$0x3FB3];
	_ =	sdelay $0x3  }
0x34: {  	[smem:$0x3FB3] =	sst s10  }
0x35: {  	s10 =	sld [smem:$0x3FB2];
	_ =	sdelay $0x3  }
0x36: {  	p1 =	seq.s32 s10, $0x1;
	s10 =	sld [smem:$0x3FB3];
	_ =	sdelay $0x3  }
0x37: {  	[smem:$0x3FB3] =	sst s10  }
0x38: {  	s10 =	sld [smem:$0x3FB4]  }
0x39: {  	_ = 	snop;
	(pc) =	sbr.ind lr, $3  }
0x3a: {  	_ = 	snop  }
0x3b: {  	_ = 	snop  }
0x3c: {  	p2 =	seq.s32 s10, $0x1;
	s10 =	sld [smem:$0x3FB3]  }
0x3d: {  	_ =	shalt  }
0x3e: {  	_ =	shalt  }
0x3f: {  	_ =	shalt  }
0x40: {  	_ =	shalt  }
0x41: {  	_ =	shalt  }
0x42: {  	_ =	shalt  }
0x43: {  	_ =	shalt  }
0x44: {  	_ =	shalt  }
0x45: {  	_ =	shalt  }
0x46: {  	_ =	shalt  }
0x47: {  	_ =	shalt  }
0x48: {  	_ =	shalt  }
0x49: {  	_ =	shalt  }
0x4a: {  	_ =	shalt  }
0x4b: {  	_ =	shalt  }
0x4c: {  	_ =	shalt  }
0x4d: {  	_ =	shalt  }
0x4e: {  	_ =	shalt  }
0x4f: {  	_ =	shalt  }
0x50: {  	_ =	shalt  }
0x51: {  	_ =	shalt  }
0x52: {  	_ =	shalt  }
0x53: {  	_ =	shalt  }
0x54: {  	_ =	shalt  }
0x55: {  	_ =	shalt  }
0x56: {  	_ =	shalt  }
0x57: {  	_ =	shalt  }
0x58: {  	_ =	shalt  }
0x59: {  	_ =	shalt  }
0x5a: {  	_ =	shalt  }
0x5b: {  	_ =	shalt  }
0x5c: {  	_ =	shalt  }
0x5d: {  	_ =	shalt  }
0x5e: {  	_ =	shalt  }
0x5f: {  	_ =	shalt  }
0x60: {  	_ =	shalt  }
0x61: {  	_ =	shalt  }
0x62: {  	_ =	shalt  }
0x63: {  	_ =	shalt  }
0x64: {  	_ =	shalt  }
0x65: {  	_ =	shalt  }
0x66: {  	_ =	shalt  }
0x67: {  	_ =	shalt  }
0x68: {  	_ =	shalt  }
0x69: {  	_ =	shalt  }
0x6a: {  	_ =	shalt  }
0x6b: {  	_ =	shalt  }
0x6c: {  	_ =	shalt  }
0x6d: {  	_ =	shalt  }
0x6e: {  	_ =	shalt  }
0x6f: {  	_ =	shalt  }
0x70: {  	_ =	shalt  }
0x71: {  	_ =	shalt  }
0x72: {  	_ =	shalt  }
0x73: {  	_ =	shalt  }
0x74: {  	_ =	shalt  }
0x75: {  	_ =	shalt  }
0x76: {  	_ =	shalt  }
0x77: {  	_ =	shalt  }
0x78: {  	_ =	shalt  }
0x79: {  	_ =	shalt  }
0x7a: {  	_ =	shalt  }
0x7b: {  	_ =	shalt  }
0x7c: {  	_ =	shalt  }
0x7d: {  	_ =	shalt  }
0x7e: {  	_ =	shalt  }
0x7f: {  	_ =	shalt  }
0x80: {  	_ =	shalt  }
0x81: {  	_ =	shalt  }
0x82: {  	_ =	shalt  }
0x83: {  	_ =	shalt  }
0x84: {  	_ =	shalt  }
0x85: {  	_ =	shalt  }
0x86: {  	_ =	shalt  }
0x87: {  	_ =	shalt  }
.Lfunc_end0:
.L_simem_size_0:
called_computation_lowered:
.L_overlay_start_0:
0x88: {  	s2 =	sld [smem:$0x3FD9]  }
0x89: {  	s3 =	sld [smem:$0x3FFE];
	_ =	sdelay $0x1  }
0x8a: {  	s1 =	srdreg.scid  }
0x8b: {  	s0 =	sand.u32 $0x1, s1  }
0x8c: {  	s17 =	sshll.u32 s0, $0xA;
	s2 =	sadd.s32 s3, s2  }
0x8d: {  	s2 =	sadd.s32 s2, s17  }
0x8e: {  	[smem:$0x3FBF] =	sst s2  }
0x8f: {  	_ = 	snop  }
0x90: {  	s2 =	sld [smem:$0x3FC9]  }
0x91: {  	s18 =	sld [smem:$0x3FD0];
	(tm) =	ssettm $0x1  }
0x92: {  	s4 =	sld [smem:$0x3FFB];
	_ =	sdelay $0x3  }
0x93: {  	_ =	strace s4  }
0x94: {  	s4 =	sld [smem:$0x3FFC];
	_ =	sdelay $0x3  }
0x95: {  	_ =	strace s4  }
0x96: {  	s4 =	sld [smem:$0x3FFD];
	_ =	sdelay $0x3  }
0x97: {  	_ =	strace s4  }
0x98: {  	_ =	strace $0x8FFFFFFF  }
0x99: {  	s19 =	sld [smem:$0x3FDB];
	_ =	sdelay $0x1  }
0x9a: {  	s5 =	simm.s32 $_scs_section_size  }
0x9b: {  	s6 =	simm.s32 $_size__tile_overlayer_lowered;
	s7 =	simm.s32 $_tile_overlayer_lowered  }
0x9c: {  	s22 =	simm.s32 $0x1BFF;
	s21 =	sshll.u32 s7, $0x1;
	s4 =	sadd.s32 s5, s19  }
0x9d: {  	s8 =	simm.s32 $0x0;
	s20 =	sshll.u32 s6, $0x1;
	s6 =	sadd.s32 s21, s4  }
0x9e: {  	[timem:s8], [sflag:s22] =	dma.local [hbm:s6], s20  }
0x9f: {  	_ =	swait.ge [sflag:s22], s20  }
0xa0: {  	s5 =	ssub.s32 $0x0, s20;
	[sflag:s22] =	ssyncset.done $0x0  }
0xa1: {  	[sflag:s22] =	ssyncadd.s32 s5;
	_ =	sdelay $0x1  }
0xa2: {  	s23 =	simm.s32 $0x1B8B  }
0xa3: {  	_ =	swait.ge [sflag:s23], $0x1  }
0xa4: {  	[sflag:s23] =	ssyncset.done $0x0  }
0xa5: {  	s25 =	simm.s32 $0x1B8E;
	s24 =	sld [smem:$0x3FFE];
	[sflag:s23] =	ssyncadd.s32 $0xFFFFFFFF  }
0xa6: {  	s26 =	simm.s32 $execute0_lowered;
	[smem:$0x3FD2] =	sst s25  }
0xa7: {  	s6 =	sshll.u32 s26, $0x1;
	_ =	strace $0x80000046;
	[dreg:$0x1] =	wrdreg $0xFFFFFFFF  }
0xa8: {  	s28 =	simm.s32 $_size_execute0_lowered;
	s4 =	sadd.s32 s4, s6;
	[dreg:$0x0] =	wrdreg $0x0  }
0xa9: {  	s6 =	sshll.u32 s28, $0x1;
	[dreg:$0x2] =	wrdreg s4  }
0xaa: {  	[dreg:$0x3] =	wrdreg s6  }
0xab: {  	[dreg:$0x4] =	wrdreg $0xC0  }
0xac: {  	_ =	task [dreg:s8], $0x5FFFF  }
0xad: {  	[dreg:$0x1] =	wrdreg $0xFFFFFFFF  }
0xae: {  	[dreg:$0x0] =	wrdreg $0x60  }
0xaf: {  	[dreg:$0x2] =	wrdreg s18  }
0xb0: {  	[dreg:$0x3] =	wrdreg s24  }
0xb1: {  	[dreg:$0x4] =	wrdreg s2  }
0xb2: {  	[dreg:$0x5] =	wrdreg $0xB8000  }
0xb3: {  	[dreg:$0x6] =	wrdreg $0x9  }
0xb4: {  	_ =	task.clear_ibuf [dreg:s8], $0x7FFFF;
	_ =	strace $0x90000046  }
0xb5: {  	s29 =	simm.s32 $0x9;
	_ =	strace $0x80000048  }
0xb6: {  	_ =	swait.ge [sflag:s29], $0x1  }
0xb7: {  	[sflag:s29] =	ssyncadd.s32 $0xFFFFFFFF  }
0xb8: {  	_ =	strace $0x90000048  }
0xb9: {  	_ =	sfence  }
0xba: {  	s30 =	sld [smem:$0x0];
	_ =	sdelay $0x2  }
0xbb: {  	s31 =	sshll.u32 s1, $0xD;
	s1 =	sshrl.u32 s1, $0x2  }
0xbc: {  	s3 =	sand.u32 $0x4000, s31;
	s1 =	sadd.s32 s1, s30  }
0xbd: {  	s0 =	sor.u32 s3, s0;
	s1 =	sshll.u32 s1, $0x11  }
0xbe: {  	s0 =	sor.u32 s1, s0  }
0xbf: {  	s0 =	sadd.s32 $0x8F2B, s0  }
0xc0: {  	[sflag:s0] =	ssyncadd.remote.s32 $0x1  }
0xc1: {  	_ =	sfence.sel $0xFFFF  }
0xc2: {  	[dreg:$0x0] =	wrdreg $0xFFFFFFFF;
	(pc) =	sbr.abs _section_cstart, $3  }
0xc3: {  	[dreg:$0x1] =	wrdreg $0xFFFFFFFF  }
0xc4: {  	_ =	task.clear_ibuf [dreg:s8], $0x2FFFF;
	_ =	strace $0x9FFFFFFF  }
0xc5: {  	(tm) =	ssettm $0x7FFFFFFF  }
tec
execute0_lowered:
.L_overlay_start_1:
0x0: {  	(tag) =	ssettag $0x1  }
0x1: {  	s0 =	rddreg [dreg:$0x0]  }
0x2: {  	s1 =	rddreg [dreg:$0x1]  }
0x3: {  	s3 =	rddreg [dreg:$0x2]  }
0x4: {  	s2 =	srdreg.scid;
	s4 =	rddreg [dreg:$0x3]  }
0x5: {  	s10 =	stileid.u32;
	s5 =	simm.s32 $0x0;
	s28 =	simm.s32 $0x400  }
0x6: {  	s30 =	simm.s32 $0x200;
	s31 =	simm.s32 $0x80;
	s7 =	smul.u32 $0x13C00, s10  }
0x7: {  	s2 =	sand.u32 $0x1, s2;
	[smem:$0x7FF] =	sst s5;
	s8 =	smul.u32 $0x4F000, s10  }
0x8: {  	s23 =	sshll.u32 s10, $0x1;
	s6 =	smul.u32 $0x13C000, s2;
	_ =	strace $0x80000047  }
0x9: {  	s24 =	ssub.s32 $0x2, s2;
	s2 =	sor.u32 s2, s23;
	s26 =	sshrl.u32 s8, $0x2  }
0xa: {  	s11 =	sshrl.u32 s24, $0x1;
	s8 =	smul.u32 $0x2C00, s2;
	s2 =	simm.s32 $0x100  }
0xb: {  	s7 =	sadd.s32 s7, s6;
	s6 =	sadd.s32 $0x1200, s1;
	s25 =	sadd.s32 s26, s4  }
0xc: {  	s9 =	sshrl.u32 s7, $0x3;
	s7 =	sadd.s32 $0x3C00, s25;
	[dreg:$0x5] =	wrdreg s25  }
0xd: {  	s29 =	ssub.s32 s24, s11;
	s11 =	sadd.s32 $0x7800, s25;
	[dreg:$0x6] =	wrdreg s7  }
0xe: {  	s12 =	sadd.s32 $0xB400, s25;
	s13 =	sshrl.u32 s8, $0x3;
	[dreg:$0x7] =	wrdreg s11  }
0xf: {  	s14 =	sadd.s32 $0xF000, s25;
	s15 =	sadd.s32 $0x12C00, s25;
	[dreg:$0x8] =	wrdreg s12  }
0x10: {  	s26 =	smax.u32 s29, $0x1;
	s1 =	sadd.s32 s9, s1;
	[dreg:$0x9] =	wrdreg s14  }
0x11: {  	[dreg:$0xa] =	wrdreg s15;
	s16 =	sadd.s32 s0, s13;
	s17 =	sadd.s32 s6, s13  }
0x12: {  	s18 =	sor.u32 $0x10, s13;
	s19 =	sor.u32 $0x20, s13;
	[dreg:$0x16] =	wrdreg s26  }
0x13: {  	s22 =	sor.u32 $0x30, s13;
	s9 =	sor.u32 $0x40, s13;
	[dreg:$0xc] =	wrdreg s17  }
0x14: {  	s11 =	simm.s32 $0x78;
	s12 =	sadd.s32 s0, s18;
	[dreg:$0xb] =	wrdreg s16  }
0x15: {  	s13 =	simm.s32 $0x4000;
	s10 =	sadd.s32 s6, s18;
	[dreg:$0xd] =	wrdreg s12  }
0x16: {  	s15 =	simm.s32 $0xC;
	s20 =	sadd.s32 s0, s19;
	[dreg:$0xe] =	wrdreg s10  }
0x17: {  	s14 =	simm.s32 $0x5;
	s21 =	sadd.s32 s6, s19;
	[dreg:$0xf] =	wrdreg s20  }
0x18: {  	s23 =	sadd.s32 s0, s22;
	s24 =	sadd.s32 s0, s9;
	[dreg:$0x10] =	wrdreg s21  }
0x19: {  	s9 =	sadd.s32 s6, s9;
	s1 =	sadd.s32 $0xC200, s1;
	[dreg:$0x11] =	wrdreg s23  }
0x1a: {  	s29 =	sadd.s32 $0x50, s16;
	s16 =	simm.s32 $0x7C00;
	[dreg:$0x12] =	wrdreg s24  }
0x1b: {  	s17 =	simm.s32 $0x1;
	s18 =	simm.s32 $0x4;
	[dreg:$0x14] =	wrdreg s9  }
.Ltmp0:
0x1c: {  	s19 =	simm.s32 $0x2;
	[dreg:$0x15] =	wrdreg s1;
	(pc) =	sbr.rel .LBB2_1-.Ltmp0, $4  }
0x1d: {  	s10 =	sadd.s32 s6, s22;
	[dreg:$0x17] =	wrdreg s29;
	s1 =	simm.s32 $0x280  }
0x1e: {  	s9 =	simm.s32 $0x300;
	s12 =	simm.s32 $0xB;
	s21 =	simm.s32 $0x3  }
0x1f: {  	s22 =	simm.s32 $0x6;
	s23 =	simm.s32 $0x8;
	s24 =	simm.s32 $0x9  }
0x20: {  	v0 =	vimm.f32 $0.0e+00;
	s20 =	simm.s32 $0x0;
	[dreg:$0x13] =	wrdreg s10;
	s10 =	simm.s32 $0xD  }
.LBB2_6:
0x21: {  	[spmem:s4] =	stream.indirect.scatter.add.f32 [tilespmem:s16], [sflag:$0x9], $0x80, s9, s11, $0xb8;
	[tilespmem:$0x1F400] =	vst v63  }
0x22: {  	_ =	swait.ge [sflag:s23], $0x3C00  }
0x23: {  	[sflag:s23] =	ssyncset.done $0x0  }
0x24: {  	[sflag:s23] =	ssyncadd.s32 $0xFFFFC400  }
0x25: {  	_ =	swait.ge [sflag:s24], $0x3C00  }
0x26: {  	[sflag:s24] =	ssyncset.done $0x0  }
0x27: {  	[sflag:s24] =	ssyncadd.s32 $0xFFFFC400  }
0x28: {  	s7 =	stileid.u32;
	[bflag:$0x0] =	sbarrier.arrive $0xFFFF  }
0x29: {  	s7 =	sshll.u32 s7, $0x6;
	s25 =	rddreg [dreg:$0x5]  }
0x2a: {  	s7 =	sor.u32 $0x1C0D, s7;
	s20 =	rddreg [dreg:$0x15];
	s10 =	sshrl.u32 s25, $0x3  }
0x2b: {  	[hbm:s20], [sflag:s7] =	dma.local [spmem:s10], $0x2780  }
0x2c: {  	s10 =	simm.s32 $0xD  }
0x2d: {  	_ =	swait.ge [sflag:s10], $0x2780  }
0x2e: {  	s26 =	rddreg [dreg:$0x18]  }
0x2f: {  	s29 =	rddreg [dreg:$0x16];
	s20 =	sadd.s32 $0x1, s26  }
0x30: {  	p0 =	sne.s32 s20, s29  }
.Ltmp1:
0x31: {  	_ = 	snop;
	(pc) =	sbr.rel @!p0 .LBB2_7-.Ltmp1, $3  }
0x32: {  	_ =	sdelay $0x1  }
0x33: {  	[sflag:s10] =	ssyncset.done $0x0  }
0x34: {  	[sflag:s10] =	ssyncadd.s32 $0xFFFFD880  }
.LBB2_1:
0x35: {  	[dreg:$0x18] =	wrdreg s20;
	s26 =	simm.s32 $0x0;
	s20 =	simm.s32 $0x200  }
.LBB2_2:
0x36: {  	p0 =	sne.s32 s20, $0xEE00;
	[tilespmem:s26+$0x470] =	vst v0  }
0x37: {  	[tilespmem:s26+$0x400] =	vst v0  }
0x38: {  	[tilespmem:s26+$0x410] =	vst v0  }
.Ltmp2:
0x39: {  	[tilespmem:s26+$0x420] =	vst v0;
	(pc) =	sbr.rel @p0 .LBB2_2-.Ltmp2, $4  }
0x3a: {  	[tilespmem:s26+$0x430] =	vst v0  }
0x3b: {  	[tilespmem:s26+$0x440] =	vst v0  }
0x3c: {  	[tilespmem:s26+$0x450] =	vst v0  }
0x3d: {  	[tilespmem:s26+$0x460] =	vst v0;
	s26 =	sshra.s32 s20, $0x2;
	s20 =	sadd.s32 $0x200, s20  }
0x3e: {  	[tilespmem:s26+$0x470] =	vst v0  }
0x3f: {  	[tilespmem:s26+$0x400] =	vst v0  }
0x40: {  	[tilespmem:s26+$0x410] =	vst v0  }
0x41: {  	[tilespmem:s26+$0x420] =	vst v0  }
0x42: {  	[tilespmem:s26+$0x430] =	vst v0  }
0x43: {  	[tilespmem:s26+$0x440] =	vst v0  }
0x44: {  	[tilespmem:s26+$0x450] =	vst v0  }
0x45: {  	[tilespmem:s26+$0x460] =	vst v0  }
0x46: {  	[spmem:s25] =	stream.linear.scatter [tilespmem:s28], [sflag:$0xD], $0x3C00, $0x38;
	[tilespmem:$0x1F400] =	vst v63  }
0x47: {  	_ =	swait.ge [sflag:s10], $0x3C00  }
0x48: {  	[sflag:s10] =	ssyncset.done $0x0  }
0x49: {  	s7 =	rddreg [dreg:$0x6];
	[sflag:s10] =	ssyncadd.s32 $0xFFFFC400  }
0x4a: {  	[spmem:s7] =	stream.linear.scatter [tilespmem:s28], [sflag:$0xD], $0x3C00, $0x38;
	[tilespmem:$0x1F400] =	vst v63  }
0x4b: {  	_ =	swait.ge [sflag:s10], $0x3C00  }
0x4c: {  	[sflag:s10] =	ssyncset.done $0x0  }
0x4d: {  	s29 =	rddreg [dreg:$0x7];
	[sflag:s10] =	ssyncadd.s32 $0xFFFFC400  }
0x4e: {  	[spmem:s29] =	stream.linear.scatter [tilespmem:s28], [sflag:$0xD], $0x3C00, $0x38;
	[tilespmem:$0x1F400] =	vst v63  }
0x4f: {  	_ =	swait.ge [sflag:s10], $0x3C00  }
0x50: {  	[sflag:s10] =	ssyncset.done $0x0  }
0x51: {  	s20 =	rddreg [dreg:$0x8];
	[sflag:s10] =	ssyncadd.s32 $0xFFFFC400  }
0x52: {  	[spmem:s20] =	stream.linear.scatter [tilespmem:s28], [sflag:$0xD], $0x3C00, $0x38;
	[tilespmem:$0x1F400] =	vst v63  }
0x53: {  	_ =	swait.ge [sflag:s10], $0x3C00  }
0x54: {  	[sflag:s10] =	ssyncset.done $0x0  }
0x55: {  	s25 =	rddreg [dreg:$0x9];
	[sflag:s10] =	ssyncadd.s32 $0xFFFFC400  }
0x56: {  	[spmem:s25] =	stream.linear.scatter [tilespmem:s28], [sflag:$0xD], $0x3C00, $0x38;
	[tilespmem:$0x1F400] =	vst v63  }
0x57: {  	_ =	swait.ge [sflag:s10], $0x3C00  }
0x58: {  	[sflag:s10] =	ssyncset.done $0x0  }
0x59: {  	s26 =	rddreg [dreg:$0xa];
	[sflag:s10] =	ssyncadd.s32 $0xFFFFC400  }
0x5a: {  	[spmem:s26] =	stream.linear.scatter [tilespmem:s28], [sflag:$0xD], $0x1000, $0x38;
	[tilespmem:$0x1F400] =	vst v63  }
0x5b: {  	_ =	swait.ge [sflag:s10], $0x1000  }
0x5c: {  	[sflag:s10] =	ssyncset.done $0x0  }
0x5d: {  	[sflag:s10] =	ssyncadd.s32 $0xFFFFF000  }
0x5e: {  	[bflag:$0x0] =	sbarrier.arrive $0xFFFF  }
0x5f: {  	s26 =	simm.s32 $0x0;
	s29 =	rddreg [dreg:$0xb]  }
0x60: {  	[tilespmem:s26], [sflag:$0xA] =	stream.linear.gather [hbm4b:s29+s26], $0x80, $0x38;
	[tilespmem:$0x1F400] =	vst v63  }
0x61: {  	s10 =	rddreg [dreg:$0xc]  }
0x62: {  	[tilespmem:s30], [sflag:$0x4] =	stream.linear.gather [hbm4b:s10+s26], $0x80, $0x38;
	[tilespmem:$0x1F400] =	vst v63  }
0x63: {  	s20 =	rddreg [dreg:$0xd]  }
0x64: {  	[tilespmem:s31], [sflag:$0xB] =	stream.linear.gather [hbm4b:s20+s26], $0x80, $0x38;
	[tilespmem:$0x1F400] =	vst v63  }
0x65: {  	s25 =	rddreg [dreg:$0xe]  }
0x66: {  	[tilespmem:s1], [sflag:$0x5] =	stream.linear.gather [hbm4b:s25+s26], $0x80, $0x38;
	[tilespmem:$0x1F400] =	vst v63  }
0x67: {  	s29 =	rddreg [dreg:$0xf]  }
0x68: {  	[tilespmem:s2], [sflag:$0xC] =	stream.linear.gather [hbm4b:s29+s26], $0x80, $0x38;
	[tilespmem:$0x1F400] =	vst v63  }
0x69: {  	s10 =	rddreg [dreg:$0x10]  }
0x6a: {  	[tilespmem:s9], [sflag:$0x6] =	stream.linear.gather [hbm4b:s10+s26], $0x80, $0x38;
	[tilespmem:$0x1F400] =	vst v63  }
0x6b: {  	s10 =	simm.s32 $0xA  }
0x6c: {  	_ =	swait.ge [sflag:s10], $0x80  }
0x6d: {  	[sflag:s10] =	ssyncset.done $0x0  }
0x6e: {  	[sflag:s10] =	ssyncadd.s32 $0xFFFFFF80  }
0x6f: {  	[tilespmem:s28], [sflag:$0x1] =	stream.indirect.gather [hbm4b:s3+s11], $0x80, s26, s11, $0xb8;
	[tilespmem:$0x1F400] =	vst v63  }
0x70: {  	_ =	swait.ge [sflag:s12], $0x80  }
0x71: {  	[sflag:s12] =	ssyncset.done $0x0  }
0x72: {  	[sflag:s12] =	ssyncadd.s32 $0xFFFFFF80  }
0x73: {  	[tilespmem:s13], [sflag:$0x2] =	stream.indirect.gather [hbm4b:s3+s11], $0x80, s31, s11, $0xb8;
	[tilespmem:$0x1F400] =	vst v63  }
0x74: {  	_ =	swait.ge [sflag:s15], $0x80  }
0x75: {  	[sflag:s15] =	ssyncset.done $0x0  }
0x76: {  	[sflag:s15] =	ssyncadd.s32 $0xFFFFFF80  }
0x77: {  	[tilespmem:s16], [sflag:$0x3] =	stream.indirect.gather [hbm4b:s3+s11], $0x80, s2, s11, $0xb8;
	[tilespmem:$0x1F400] =	vst v63  }
0x78: {  	_ =	swait.ge [sflag:s17], $0x3C00  }
0x79: {  	[sflag:s17] =	ssyncset.done $0x0  }
0x7a: {  	[sflag:s17] =	ssyncadd.s32 $0xFFFFC400  }
0x7b: {  	_ =	swait.ge [sflag:s18], $0x80  }
0x7c: {  	[sflag:s18] =	ssyncset.done $0x0  }
0x7d: {  	s20 =	rddreg [dreg:$0x11];
	[sflag:s18] =	ssyncadd.s32 $0xFFFFFF80  }
0x7e: {  	[tilespmem:s26], [sflag:$0xA] =	stream.linear.gather [hbm4b:s20+s26], $0x80, $0x38;
	[tilespmem:$0x1F400] =	vst v63  }
0x7f: {  	_ = 	snop  }
0x80: {  	[spmem:s4] =	stream.indirect.scatter.add.f32 [tilespmem:s28], [sflag:$0x7], $0x80, s30, s11, $0xb8;
	[tilespmem:$0x1F400] =	vst v63  }
0x81: {  	_ =	swait.ge [sflag:s19], $0x3C00  }
0x82: {  	[sflag:s19] =	ssyncset.done $0x0  }
0x83: {  	[sflag:s19] =	ssyncadd.s32 $0xFFFFC400  }
0x84: {  	_ =	swait.ge [sflag:s14], $0x80  }
0x85: {  	[sflag:s14] =	ssyncset.done $0x0  }
0x86: {  	s25 =	rddreg [dreg:$0x12];
	[sflag:s14] =	ssyncadd.s32 $0xFFFFFF80  }
0x87: {  	[tilespmem:s31], [sflag:$0xB] =	stream.linear.gather [hbm4b:s25+s26], $0x80, $0x38;
	[tilespmem:$0x1F400] =	vst v63  }
0x88: {  	s29 =	simm.s32 $0x7  }
0x89: {  	[spmem:s4] =	stream.indirect.scatter.add.f32 [tilespmem:s13], [sflag:$0x8], $0x80, s1, s11, $0xb8;
	[tilespmem:$0x1F400] =	vst v63  }
0x8a: {  	_ =	swait.ge [sflag:s29], $0x3C00  }
0x8b: {  	[sflag:s29] =	ssyncset.done $0x0  }
0x8c: {  	[sflag:s29] =	ssyncadd.s32 $0xFFFFC400  }
0x8d: {  	_ =	swait.ge [sflag:s10], $0x80  }
0x8e: {  	[sflag:s10] =	ssyncset.done $0x0  }
0x8f: {  	[sflag:s10] =	ssyncadd.s32 $0xFFFFFF80  }
0x90: {  	[tilespmem:s28], [sflag:$0x1] =	stream.indirect.gather [hbm4b:s3+s11], $0x80, s26, s11, $0xb8;
	[tilespmem:$0x1F400] =	vst v63  }
0x91: {  	s20 =	rddreg [dreg:$0x13]  }
0x92: {  	[tilespmem:s30], [sflag:$0x4] =	stream.linear.gather [hbm4b:s20+s26], $0x80, $0x38;
	[tilespmem:$0x1F400] =	vst v63  }
0x93: {  	_ =	swait.ge [sflag:s21], $0x3C00  }
0x94: {  	[sflag:s21] =	ssyncset.done $0x0  }
0x95: {  	[sflag:s21] =	ssyncadd.s32 $0xFFFFC400  }
0x96: {  	_ =	swait.ge [sflag:s22], $0x80  }
0x97: {  	[sflag:s22] =	ssyncset.done $0x0  }
0x98: {  	s25 =	rddreg [dreg:$0x17];
	[sflag:s22] =	ssyncadd.s32 $0xFFFFFF80  }
0x99: {  	[tilespmem:s2], [sflag:$0xC] =	stream.linear.gather [hbm4b:s25+s26], $0x80, $0x38;
	[tilespmem:$0x1F400] =	vst v63  }
0x9a: {  	_ = 	snop  }
0x9b: {  	[spmem:s4] =	stream.indirect.scatter.add.f32 [tilespmem:s16], [sflag:$0x9], $0x80, s9, s11, $0xb8;
	[tilespmem:$0x1F400] =	vst v63  }
0x9c: {  	_ =	swait.ge [sflag:s23], $0x3C00  }
0x9d: {  	[sflag:s23] =	ssyncset.done $0x0  }
0x9e: {  	[sflag:s23] =	ssyncadd.s32 $0xFFFFC400  }
0x9f: {  	_ =	swait.ge [sflag:s12], $0x80  }
0xa0: {  	[sflag:s12] =	ssyncset.done $0x0  }
0xa1: {  	[sflag:s12] =	ssyncadd.s32 $0xFFFFFF80  }
0xa2: {  	[tilespmem:s13], [sflag:$0x2] =	stream.indirect.gather [hbm4b:s3+s11], $0x80, s31, s11, $0xb8;
	[tilespmem:$0x1F400] =	vst v63  }
0xa3: {  	s29 =	rddreg [dreg:$0x14]  }
0xa4: {  	[tilespmem:s1], [sflag:$0x5] =	stream.linear.gather [hbm4b:s29+s26], $0x80, $0x38;
	[tilespmem:$0x1F400] =	vst v63  }
.LBB2_4:
0xa5: {  	p0 =	seq.s32 s26, $0x2700  }
0xa6: {  	_ =	swait.ge [sflag:s17], $0x3C00;
	s20 =	sadd.s32 @!p0 $0x300, s26  }
0xa7: {  	[sflag:s17] =	ssyncset.done $0x0;
	s7 =	sand.u32 @!p0 $0x7C00, s20  }
0xa8: {  	[sflag:s17] =	ssyncadd.s32 $0xFFFFC400;
	s20 =	sand.u32 @!p0 $0x380, s20;
	s7 =	sadd.s32 @!p0 s8, s7  }
0xa9: {  	_ =	swait.ge [sflag:s18], $0x80;
	s7 =	sor.u32 @!p0 s20, s7  }
0xaa: {  	[sflag:s18] =	ssyncset.done $0x0;
	s7 =	sshrl.u32 @!p0 s7, $0x3  }
0xab: {  	s10 =	simm.s32 @!p0 $0x0;
	[sflag:s18] =	ssyncadd.s32 $0xFFFFFF80;
	s20 =	sadd.s32 @!p0 s0, s7  }
0xac: {  	[tilespmem:s10], [sflag:$0xA] =	stream.linear.gather @!p0 [hbm4b:s20+s10], $0x80, $0x38;
	[tilespmem:$0x1F400] =	vst v63  }
0xad: {  	_ = 	snop  }
0xae: {  	[spmem:s4] =	stream.indirect.scatter.add.f32 [tilespmem:s28], [sflag:$0x7], $0x80, s30, s11, $0xb8;
	[tilespmem:$0x1F400] =	vst v63  }
0xaf: {  	_ =	swait.ge [sflag:s24], $0x3C00  }
0xb0: {  	s29 =	sadd.s32 $0x280, s26;
	[sflag:s24] =	ssyncset.done $0x0  }
0xb1: {  	s25 =	sand.u32 $0x7C00, s29;
	[sflag:s24] =	ssyncadd.s32 $0xFFFFC400  }
0xb2: {  	s25 =	sadd.s32 s8, s25;
	s20 =	sand.u32 $0x380, s29;
	_ =	swait.ge [sflag:s15], $0x80  }
0xb3: {  	s20 =	sor.u32 s20, s25;
	[sflag:s15] =	ssyncset.done $0x0  }
0xb4: {  	s20 =	sshrl.u32 s20, $0x3;
	[sflag:s15] =	ssyncadd.s32 $0xFFFFFF80  }
0xb5: {  	[tilespmem:s16], [sflag:$0x3] =	stream.indirect.gather [hbm4b:s3+s11], $0x80, s2, s11, $0xb8;
	[tilespmem:$0x1F400] =	vst v63  }
0xb6: {  	s20 =	sadd.s32 s6, s20  }
0xb7: {  	[tilespmem:s9], [sflag:$0x6] =	stream.linear.gather [hbm4b:s20+s5], $0x80, $0x38;
	[tilespmem:$0x1F400] =	vst v63  }
0xb8: {  	_ =	swait.ge [sflag:s19], $0x3C00  }
0xb9: {  	[sflag:s19] =	ssyncset.done $0x0  }
0xba: {  	[sflag:s19] =	ssyncadd.s32 $0xFFFFC400  }
0xbb: {  	_ =	swait.ge [sflag:s14], $0x80  }
0xbc: {  	s29 =	simm.s32 @p0 $0x4000;
	[sflag:s14] =	ssyncset.done $0x0  }
0xbd: {  	s25 =	simm.s32 @p0 $0x280;
	s20 =	simm.s32 @p0 $0x78;
	[sflag:s14] =	ssyncadd.s32 $0xFFFFFF80  }
0xbe: {  	[spmem:s4] =	stream.indirect.scatter.add.f32 @p0 [tilespmem:s29], [sflag:$0x8], $0x80, s25, s20, $0xb8;
	[tilespmem:$0x1F400] =	vst v63  }
0xbf: {  	s20 =	sadd.s32 @!p0 $0x380, s26  }
0xc0: {  	s25 =	sand.u32 @!p0 $0x7C00, s20  }
0xc1: {  	s29 =	simm.s32 @p0 $0x7;
	s20 =	sand.u32 @!p0 $0x380, s20;
	s25 =	sadd.s32 @!p0 s8, s25  }
0xc2: {  	_ =	swait.ge @p0 [sflag:s29], $0x3C00;
	s20 =	sor.u32 @!p0 s20, s25  }
0xc3: {  	[sflag:s29] =	ssyncset.done @p0 $0x0;
	s20 =	sshrl.u32 @!p0 s20, $0x3  }
0xc4: {  	[sflag:s29] =	ssyncadd.s32 @p0 $0xFFFFC400;
	s25 =	simm.s32 @!p0 $0x80;
	s20 =	sadd.s32 @!p0 s0, s20  }
0xc5: {  	[tilespmem:s25], [sflag:$0xB] =	stream.linear.gather @!p0 [hbm4b:s20+s10], $0x80, $0x38;
	[tilespmem:$0x1F400] =	vst v63  }
0xc6: {  	s29 =	simm.s32 @!p0 $0x4000;
	s20 =	simm.s32 @!p0 $0x78;
	s25 =	simm.s32 @!p0 $0x280  }
0xc7: {  	[spmem:s4] =	stream.indirect.scatter.add.f32 @!p0 [tilespmem:s29], [sflag:$0x8], $0x80, s25, s20, $0xb8;
	[tilespmem:$0x1F400] =	vst v63  }
0xc8: {  	s25 =	simm.s32 @!p0 $0x7  }
0xc9: {  	_ =	swait.ge @!p0 [sflag:s25], $0x3C00  }
0xca: {  	[sflag:s25] =	ssyncset.done @!p0 $0x0  }
0xcb: {  	[sflag:s25] =	ssyncadd.s32 @!p0 $0xFFFFC400;
	s25 =	simm.s32 @!p0 $0xA  }
0xcc: {  	_ =	swait.ge @!p0 [sflag:s25], $0x80  }
0xcd: {  	[sflag:s25] =	ssyncset.done @!p0 $0x0  }
0xce: {  	[sflag:s25] =	ssyncadd.s32 @!p0 $0xFFFFFF80;
	s25 =	simm.s32 @!p0 $0x400  }
0xcf: {  	[tilespmem:s25], [sflag:$0x1] =	stream.indirect.gather @!p0 [hbm4b:s3+s20], $0x80, s10, s20, $0xb8;
	[tilespmem:$0x1F400] =	vst v63  }
0xd0: {  	s7 =	sadd.s32 @!p0 s6, s7;
	s20 =	simm.s32 @!p0 $0x200  }
0xd1: {  	[tilespmem:s20], [sflag:$0x4] =	stream.linear.gather @!p0 [hbm4b:s7+s10], $0x80, $0x38;
	[tilespmem:$0x1F400] =	vst v63  }
0xd2: {  	_ =	swait.ge [sflag:s21], $0x3C00  }
.Ltmp3:
0xd3: {  	[sflag:s21] =	ssyncset.done $0x0;
	(pc) =	sbr.rel @p0 .LBB2_6-.Ltmp3, $4  }
0xd4: {  	[sflag:s21] =	ssyncadd.s32 $0xFFFFC400  }
0xd5: {  	_ =	swait.ge [sflag:s22], $0x80  }
0xd6: {  	[sflag:s22] =	ssyncset.done $0x0  }
0xd7: {  	[sflag:s22] =	ssyncadd.s32 $0xFFFFFF80  }
0xd8: {  	s7 =	sadd.s32 $0x400, s26  }
0xd9: {  	s7 =	sand.u32 $0x7C00, s7  }
0xda: {  	s10 =	sand.u32 $0x380, s26;
	s7 =	sadd.s32 s8, s7  }
0xdb: {  	s7 =	sor.u32 s10, s7  }
0xdc: {  	s7 =	sshrl.u32 s7, $0x3  }
0xdd: {  	s7 =	sadd.s32 s0, s7  }
0xde: {  	[tilespmem:s2], [sflag:$0xC] =	stream.linear.gather [hbm4b:s7+s5], $0x80, $0x38;
	[tilespmem:$0x1F400] =	vst v63  }
0xdf: {  	_ = 	snop  }
0xe0: {  	[spmem:s4] =	stream.indirect.scatter.add.f32 [tilespmem:s16], [sflag:$0x9], $0x80, s9, s11, $0xb8;
	[tilespmem:$0x1F400] =	vst v63  }
0xe1: {  	_ =	swait.ge [sflag:s23], $0x3C00  }
0xe2: {  	s25 =	sadd.s32 $0x380, s26;
	[sflag:s23] =	ssyncset.done $0x0  }
0xe3: {  	s29 =	sand.u32 $0x7C00, s25;
	[sflag:s23] =	ssyncadd.s32 $0xFFFFC400  }
0xe4: {  	s10 =	sadd.s32 s8, s29;
	s7 =	sand.u32 $0x380, s25;
	_ =	swait.ge [sflag:s12], $0x80  }
.Ltmp4:
0xe5: {  	s7 =	sor.u32 s7, s10;
	[sflag:s12] =	ssyncset.done $0x0;
	(pc) =	sbr.rel .LBB2_4-.Ltmp4, $4  }
0xe6: {  	s7 =	sshrl.u32 s7, $0x3;
	[sflag:s12] =	ssyncadd.s32 $0xFFFFFF80  }
0xe7: {  	[tilespmem:s13], [sflag:$0x2] =	stream.indirect.gather [hbm4b:s3+s11], $0x80, s31, s11, $0xb8;
	[tilespmem:$0x1F400] =	vst v63  }
0xe8: {  	s26 =	sadd.s32 $0x180, s26;
	s7 =	sadd.s32 s6, s7  }
0xe9: {  	[tilespmem:s1], [sflag:$0x5] =	stream.linear.gather [hbm4b:s7+s5], $0x80, $0x38;
	[tilespmem:$0x1F400] =	vst v63  }
.LBB2_7:
0xea: {  	_ =	sfence.sel $0x180000  }
0xeb: {  	[bflag:$0x0] =	sbarrier.arrive $0xFFFF  }
0xec: {  	_ =	strace $0x90000047  }
0xed: {  	s0 =	stileid.u32;
	[bflag:$0x2] =	sbarrier.arrive $0xFFFF  }
0xee: {  	p0 =	sne.s32 s0, $0x0;
	s0 =	rddreg [dreg:$0x4]  }
0xef: {  	s0 =	sadd.s32 @!p0 $0x100000, s0  }
0xf0: {  	[sflag:s0] =	ssyncadd.tile.s32 @!p0 $0x1;
	_ =	shalt  }
.Lfunc_end2:
_tile_overlayer_lowered:
.L_overlay_start_2:
0xf1: {  	(tag) =	ssettag $0x2  }
0xf2: {  	s0 =	rddreg [dreg:$0x0];
	s2 =	stileid.u32  }
0xf3: {  	s1 =	rddreg [dreg:$0x1];
	p0 =	sne.s32 s2, $0x0  }
0xf4: {  	s3 =	rddreg [dreg:$0x2];
	[bflag:$0x3] =	sbarrier.arrive $0xFFFF;
	s2 =	simm.s32 @!p0 $0x1C0D  }
0xf5: {  	[timem:s3], [sflag:s2] =	dma.local @!p0 [hbm:s0], s1  }
0xf6: {  	s0 =	simm.s32 @!p0 $0xD  }
0xf7: {  	_ =	swait.ge @!p0 [sflag:s0], s1  }
0xf8: {  	s1 =	ssub.s32 @!p0 $0x0, s1;
	[sflag:s0] =	ssyncset.done @!p0 $0x0  }
0xf9: {  	[sflag:s0] =	ssyncadd.s32 @!p0 s1  }
0xfa: {  	[bflag:$0x3] =	sbarrier.arrive $0xFFFF  }
0xfb: {  	_ =	shalt  }

</sc_bundles>
